<compile_context>
chip_gen: v7x
topology: tpu7x:2x2x1
jax: 0.10.2.dev20260603
libtpu: 0.0.44.dev20260713+nightly
codegen_flags: <defaults>
</compile_context>

<pallas_src>
import jax
import jax.numpy as jnp
from jax import lax
from jax.experimental import pallas as pl
from jax.experimental.pallas import tpu as pltpu
from jax.experimental.pallas import tpu_sc as plsc

_TEMPERATURE = 0.07
_MARGIN = 0.3
_B = 1024
_D = 64
_RB = 128
_RB2 = 32
_IB = 128
_NC = 2
_NS = 16
_NW = _NC * _NS
_L = 16


def _stats_body(a_ref, c_ref, pm_ref, ks_ref, kn_ref, loss_ref, acc_ref,
                cnt_ref):
    step = pl.program_id(0)
    an = a_ref[...]
    cn = c_ref[...]
    pm = pm_ref[...]
    sim = lax.dot_general(an, cn, (((1,), (1,)), ((), ())),
                          preferred_element_type=jnp.float32)
    cnt = jnp.sum(pm, axis=1, keepdims=True)
    pos = jnp.sum(sim * pm, axis=1, keepdims=True) / jnp.maximum(cnt, 1.0)
    negm = pm == 0.0
    semi = jnp.logical_and(sim > pos - _MARGIN, negm)
    neg_inf = jnp.float32(-jnp.inf)
    ks_ref[...] = jnp.where(semi, sim, neg_inf)
    kn_ref[...] = jnp.where(negm, sim, neg_inf)
    row_max = jnp.max(sim, axis=1, keepdims=True)
    m = jnp.maximum(row_max, pos)
    se = (jnp.sum(jnp.exp((sim - m) / _TEMPERATURE), axis=1, keepdims=True)
          + jnp.exp((pos - m) / _TEMPERATURE))
    loss_rows = m / _TEMPERATURE + jnp.log(se) - pos / _TEMPERATURE
    acc_rows = (pos >= row_max).astype(jnp.float32)
    lsum = jnp.sum(loss_rows)
    asum = jnp.sum(acc_rows)
    ssum = jnp.sum(semi.astype(jnp.float32))

    @pl.when(step == 0)
    def _():
        loss_ref[0, 0] = lsum
        acc_ref[0, 0] = asum
        cnt_ref[0, 0] = ssum

    @pl.when(step != 0)
    def _():
        loss_ref[0, 0] += lsum
        acc_ref[0, 0] += asum
        cnt_ref[0, 0] += ssum


def _mine_stats(anchors, candidates, pm_f):
    return pl.pallas_call(
        _stats_body,
        grid=(_B // _RB,),
        in_specs=[
            pl.BlockSpec((_RB, _D), lambda i: (i, 0)),
            pl.BlockSpec((_B, _D), lambda i: (0, 0)),
            pl.BlockSpec((_RB, _B), lambda i: (i, 0)),
        ],
        out_specs=[
            pl.BlockSpec((_RB, _B), lambda i: (i, 0)),
            pl.BlockSpec((_RB, _B), lambda i: (i, 0)),
            pl.BlockSpec(memory_space=pltpu.SMEM),
            pl.BlockSpec(memory_space=pltpu.SMEM),
            pl.BlockSpec(memory_space=pltpu.SMEM),
        ],
        out_shape=[
            jax.ShapeDtypeStruct((_B, _B), jnp.float32),
            jax.ShapeDtypeStruct((_B, _B), jnp.float32),
            jax.ShapeDtypeStruct((1, 1), jnp.float32),
            jax.ShapeDtypeStruct((1, 1), jnp.float32),
            jax.ShapeDtypeStruct((1, 1), jnp.float32),
        ],
    )(anchors, candidates, pm_f)


def _rank_body(cnt_ref, ksj_ref, knj_ref, out_ref):
    use_semi = cnt_ref[0, 0] > 0.0
    kj = jnp.where(use_semi, ksj_ref[...], knj_ref[...])
    one = jnp.float32(1.0)
    zero = jnp.float32(0.0)
    ii = lax.broadcasted_iota(jnp.int32, (_IB, _IB), 0)
    jj = lax.broadcasted_iota(jnp.int32, (_IB, _IB), 1)
    tie_f = jnp.where(ii < jj, one, zero)[None, :, :]
    tot = None
    for ib in range(_B // _IB):
        lo = ib * _IB
        hi = lo + _IB
        ki3 = kj[:, lo:hi, None]
        pieces = []
        if lo > 0:
            left = kj[:, None, :lo]
            pieces.append(jnp.sum(jnp.where(ki3 > left, one, zero), axis=1))
        diag = kj[:, None, lo:hi]
        d = (jnp.where(ki3 > diag, one, zero)
             + tie_f * jnp.where(ki3 == diag, one, zero))
        pieces.append(jnp.sum(d, axis=1))
        if hi < _B:
            right = kj[:, None, hi:]
            pieces.append(jnp.sum(jnp.where(ki3 >= right, one, zero), axis=1))
        contrib = jnp.concatenate(pieces, axis=1)
        tot = contrib if tot is None else tot + contrib
    out_ref[...] = tot.astype(jnp.int32)


def _rank(cnt_s, ks, kn):
    return pl.pallas_call(
        _rank_body,
        grid=(_B // _RB2,),
        in_specs=[
            pl.BlockSpec(memory_space=pltpu.SMEM),
            pl.BlockSpec((_RB2, _B), lambda b: (b, 0)),
            pl.BlockSpec((_RB2, _B), lambda b: (b, 0)),
        ],
        out_specs=pl.BlockSpec((_RB2, _B), lambda b: (b, 0)),
        out_shape=jax.ShapeDtypeStruct((_B, _B), jnp.int32),
    )(cnt_s, ks, kn)


def _invert_body(rank_hbm, out_hbm, row_v, inv_v):
    wid = lax.axis_index("s") * _NC + lax.axis_index("c")
    rows_per = _B // _NW

    def row_step(r, carry):
        row = wid * rows_per + r
        pltpu.sync_copy(rank_hbm.at[row], row_v)

        def chunk(k, c2):
            idx = row_v[pl.ds(k * _L, _L)]
            vals = lax.broadcasted_iota(jnp.int32, (_L,), 0) + k * _L
            plsc.store_scatter(inv_v, [idx], vals)
            return c2

        lax.fori_loop(0, _B // _L, chunk, 0)
        pltpu.sync_copy(inv_v, out_hbm.at[row])
        return carry

    lax.fori_loop(0, rows_per, row_step, 0)


def _invert(rank):
    f = pl.kernel(
        _invert_body,
        mesh=plsc.VectorSubcoreMesh(core_axis_name="c", subcore_axis_name="s"),
        out_type=jax.ShapeDtypeStruct((_B, _B), jnp.int32),
        scratch_types=[
            pltpu.VMEM((_B,), jnp.int32),
            pltpu.VMEM((_B,), jnp.int32),
        ],
        compiler_params=pltpu.CompilerParams(needs_layout_passes=False),
    )
    return f(rank)


def _l2n(x):
    return x / jnp.maximum(jnp.linalg.norm(x, axis=1, keepdims=True), 1e-12)


def kernel(anchors, candidates, positive_mask):
    pm_f = positive_mask.astype(jnp.float32)
    ks, kn, loss_s, acc_s, cnt_s = _mine_stats(_l2n(anchors),
                                               _l2n(candidates), pm_f)
    rank = _rank(cnt_s, ks, kn)
    hard_indices = _invert(rank)
    loss = loss_s[0, 0] / _B
    accuracy = acc_s[0, 0] / _B
    return loss, accuracy, hard_indices

# --- scband reference (transcript-rebuilt; emitter-appended) ---
"""Pipeline reference for scband-hard-negative-mining-loss-44238163148975 (READ-ONLY COPY).

The authoritative reference and input builder live on the scoring server;
editing this copy changes nothing except your own understanding.
"""

import jax, jax.numpy as jnp
import numpy as np

TEMPERATURE = 0.07
MARGIN = 0.3

def _l2norm(x):
    return x / jnp.maximum(jnp.linalg.norm(x, axis=1, keepdims=True), 1e-12)

def setup_inputs(seed: int = 0) -> dict:
    key = jax.random.key(seed)
    k1, k2, k3 = jax.random.split(key, 3)
    anchors = jax.random.normal(k1, (1024, 64), dtype=jnp.float32)
    candidates = jax.random.normal(k2, (1024, 64), dtype=jnp.float32)
    positive_mask = jax.random.randint(k3, (1024, 1024), 0, 2).astype(jnp.bool_)
    return {"anchors": anchors, "candidates": candidates, "positive_mask": positive_mask}

def reference(anchors, candidates, positive_mask):
    a = _l2norm(anchors)
    c = _l2norm(candidates)
    similarity = a @ c.T
    pm_bool = positive_mask.astype(jnp.bool_)
    neg_mask = ~pm_bool
    pm = pm_bool.astype(jnp.float32)
    # semi-hard mining
    pos_sim_row = (similarity * pm).sum(axis=1, keepdims=True) / jnp.clip(pm.sum(axis=1, keepdims=True), 1.0, None)
    semi_hard_mask = (similarity > pos_sim_row - MARGIN) & neg_mask
    # fallback to plain negative mask if no semi-hard negatives exist anywhere
    use_mask = jnp.where(semi_hard_mask.sum() == 0, neg_mask, semi_hard_mask)
    similarity_masked = jnp.where(use_mask, similarity, -jnp.inf)
    hard_indices = jnp.argsort(-similarity_masked, axis=1)  # descending
    B = a.shape[0]
    K = hard_indices.shape[1]
    hard_negatives = c[hard_indices.reshape(-1)].reshape(B, K, -1)  # gather: [B, K, d]
    positive_sim = (similarity * pm).sum(axis=1) / jnp.clip(pm.sum(axis=1), 1.0, None)
    negative_sim = jnp.einsum('bd,bkd->bk', a, hard_negatives)
    logits = jnp.concatenate([positive_sim[:, None], negative_sim], axis=1) / TEMPERATURE
    # cross entropy with labels == 0
    loss = jnp.mean(jax.nn.logsumexp(logits, axis=1) - logits[:, 0])
    accuracy = jnp.mean((jnp.argmax(logits, axis=1) == 0).astype(jnp.float32))
    return loss, accuracy, hard_indices

if __name__ == "__main__":
    import jax
    _d = setup_inputs()
    print(jax.jit(kernel)(*tuple(_d.values())))

</pallas_src>

<mosaic_0001>
#map = affine_map<(d0, d1) -> (0, 0)>
module attributes {stable_mosaic.version = 14 : i64} {
  func.func @_invert_body(%arg0: i32, %arg1: i32, %arg2: memref<1024x1024xi32, #tpu.memory_space<hbm>>, %arg3: memref<1024x1024xi32, #tpu.memory_space<hbm>>, %arg4: memref<1024xi32, #tpu.memory_space<vmem>>, %arg5: memref<1024xi32, #tpu.memory_space<vmem>>) attributes {dimension_semantics = [#tpu.dimension_semantics<core_parallel>, #tpu.dimension_semantics<subcore_parallel>], iteration_bounds = array<i64: 2, 16>, scalar_prefetch = 0 : i64, scratch_operands = 2 : i64, tpu.core_type = #tpu.core_type<sc_vector_subcore>, window_params = [{transform_indices = #map}, {transform_indices = #map}]} {
    %mul3A = arith.constant 2 : i32
    %mul3A_0 = arith.muli %arg1, %mul3A : i32
    %add3A = arith.addi %mul3A_0, %arg0 : i32
    %scan3A = arith.constant 0 : i32
    %scan3A_1 = arith.constant 0 : i32
    %scan3A_2 = arith.constant 32 : i32
    %scan3A_3 = arith.addi %scan3A_1, %scan3A_2 : i32
    %scan3A_4 = arith.constant 1 : i32
    scf.for %scan3A_6 = %scan3A_1 to %scan3A_3 step %scan3A_4  : i32 {
      %mul3A_7 = arith.constant 32 : i32
      %mul3A_8 = arith.muli %add3A, %mul3A_7 : i32
      %add3A_9 = arith.addi %mul3A_8, %scan3A_6 : i32
      "tpu.region"() ({
        %run_scoped3A = tpu.sem_alloc : memref<!tpu.dma_semaphore, #tpu.memory_space<semaphore_mem>>
        %dma_start3A = arith.constant 0 : i32
        %dma_start3A_16 = tpu.memref_slice %arg2[%add3A_9, %dma_start3A] : memref<1024x1024xi32, #tpu.memory_space<hbm>> -> memref<1x1024xi32, #tpu.memory_space<hbm>>
        %dma_start3A_17 = tpu.memref_squeeze %dma_start3A_16 : memref<1x1024xi32, #tpu.memory_space<hbm>> -> memref<1024xi32, #tpu.memory_space<hbm>>
        %dma_start3A_18 = arith.constant 0 : i32
        %dma_start3A_19 = tpu.memref_slice %arg2[%add3A_9, %dma_start3A_18] : memref<1024x1024xi32, #tpu.memory_space<hbm>> -> memref<1x1024xi32, #tpu.memory_space<hbm>>
        %dma_start3A_20 = tpu.memref_squeeze %dma_start3A_19 : memref<1x1024xi32, #tpu.memory_space<hbm>> -> memref<1024xi32, #tpu.memory_space<hbm>>
        tpu.enqueue_dma source(%dma_start3A_20 : memref<1024xi32, #tpu.memory_space<hbm>>) target(%arg4 : memref<1024xi32, #tpu.memory_space<vmem>>) target_semaphore(%run_scoped3A : memref<!tpu.dma_semaphore, #tpu.memory_space<semaphore_mem>>)
        %dma_wait3A = arith.constant 0 : i32
        %dma_wait3A_21 = tpu.memref_slice %arg2[%add3A_9, %dma_wait3A] : memref<1024x1024xi32, #tpu.memory_space<hbm>> -> memref<1x1024xi32, #tpu.memory_space<hbm>>
        %dma_wait3A_22 = tpu.memref_squeeze %dma_wait3A_21 : memref<1x1024xi32, #tpu.memory_space<hbm>> -> memref<1024xi32, #tpu.memory_space<hbm>>
        %dma_wait3A_23 = arith.constant 0 : i32
        %dma_wait3A_24 = tpu.memref_slice %arg2[%add3A_9, %dma_wait3A_23] : memref<1024x1024xi32, #tpu.memory_space<hbm>> -> memref<1x1024xi32, #tpu.memory_space<hbm>>
        %dma_wait3A_25 = tpu.memref_squeeze %dma_wait3A_24 : memref<1x1024xi32, #tpu.memory_space<hbm>> -> memref<1024xi32, #tpu.memory_space<hbm>>
        tpu.wait_dma2 semaphore(%run_scoped3A : memref<!tpu.dma_semaphore, #tpu.memory_space<semaphore_mem>>) src(%dma_wait3A_25 : memref<1024xi32, #tpu.memory_space<hbm>>) dst(%arg4 : memref<1024xi32, #tpu.memory_space<vmem>>)
        tpu.yield
      }) : () -> ()
      %scan3A_10 = arith.constant 0 : i32
      %scan3A_11 = arith.constant 0 : i32
      %scan3A_12 = arith.constant 64 : i32
      %scan3A_13 = arith.addi %scan3A_11, %scan3A_12 : i32
      %scan3A_14 = arith.constant 1 : i32
      scf.for %scan3A_16 = %scan3A_11 to %scan3A_13 step %scan3A_14  : i32 {
        %mul3A_17 = arith.constant 16 : i32
        %mul3A_18 = arith.muli %scan3A_16, %mul3A_17 : i32
        %get3A = arith.index_cast %mul3A_18 : i32 to index
        %get3A_19 = tpu.vector_load %arg4[%get3A] {strides = array<i32>} : memref<1024xi32, #tpu.memory_space<vmem>>, vector<16xi32>,
        %iota3A = tpu.iota {dimensions = array<i32: 0>} : vector<16xi32>
        %mul3A_20 = arith.constant 16 : i32
        %mul3A_21 = arith.muli %scan3A_16, %mul3A_20 : i32
        %add3A_22 = vector.broadcast %mul3A_21 : i32 to vector<16xi32>
        %add3A_23 = arith.addi %iota3A, %add3A_22 : vector<16xi32>
        tpu.vector_store_idx %arg5[%get3A_19], %add3A_23 : memref<1024xi32, #tpu.memory_space<vmem>>[vector<16xi32>], vector<16xi32>,
      }
      %scan3A_15 = arith.constant 64 : i32
      "tpu.region"() ({
        %run_scoped3A = tpu.sem_alloc : memref<!tpu.dma_semaphore, #tpu.memory_space<semaphore_mem>>
        %dma_start3A = arith.constant 0 : i32
        %dma_start3A_16 = tpu.memref_slice %arg3[%add3A_9, %dma_start3A] : memref<1024x1024xi32, #tpu.memory_space<hbm>> -> memref<1x1024xi32, #tpu.memory_space<hbm>>
        %dma_start3A_17 = tpu.memref_squeeze %dma_start3A_16 : memref<1x1024xi32, #tpu.memory_space<hbm>> -> memref<1024xi32, #tpu.memory_space<hbm>>
        %dma_start3A_18 = arith.constant 0 : i32
        %dma_start3A_19 = tpu.memref_slice %arg3[%add3A_9, %dma_start3A_18] : memref<1024x1024xi32, #tpu.memory_space<hbm>> -> memref<1x1024xi32, #tpu.memory_space<hbm>>
        %dma_start3A_20 = tpu.memref_squeeze %dma_start3A_19 : memref<1x1024xi32, #tpu.memory_space<hbm>> -> memref<1024xi32, #tpu.memory_space<hbm>>
        tpu.enqueue_dma source(%arg5 : memref<1024xi32, #tpu.memory_space<vmem>>) target(%dma_start3A_20 : memref<1024xi32, #tpu.memory_space<hbm>>) target_semaphore(%run_scoped3A : memref<!tpu.dma_semaphore, #tpu.memory_space<semaphore_mem>>)
        %dma_wait3A = arith.constant 0 : i32
        %dma_wait3A_21 = tpu.memref_slice %arg3[%add3A_9, %dma_wait3A] : memref<1024x1024xi32, #tpu.memory_space<hbm>> -> memref<1x1024xi32, #tpu.memory_space<hbm>>
        %dma_wait3A_22 = tpu.memref_squeeze %dma_wait3A_21 : memref<1x1024xi32, #tpu.memory_space<hbm>> -> memref<1024xi32, #tpu.memory_space<hbm>>
        %dma_wait3A_23 = arith.constant 0 : i32
        %dma_wait3A_24 = tpu.memref_slice %arg3[%add3A_9, %dma_wait3A_23] : memref<1024x1024xi32, #tpu.memory_space<hbm>> -> memref<1x1024xi32, #tpu.memory_space<hbm>>
        %dma_wait3A_25 = tpu.memref_squeeze %dma_wait3A_24 : memref<1x1024xi32, #tpu.memory_space<hbm>> -> memref<1024xi32, #tpu.memory_space<hbm>>
        tpu.wait_dma2 semaphore(%run_scoped3A : memref<!tpu.dma_semaphore, #tpu.memory_space<semaphore_mem>>) src(%arg5 : memref<1024xi32, #tpu.memory_space<vmem>>) dst(%dma_wait3A_25 : memref<1024xi32, #tpu.memory_space<hbm>>)
        tpu.yield
      }) : () -> ()
    }
    %scan3A_5 = arith.constant 32 : i32
    return
  }
}

module attributes {stable_mosaic.version = 14 : i64} {
  func.func @_stats_body(%arg0: i32, %arg1: memref<128x64xf32, #tpu.memory_space<vmem>>, %arg2: memref<1024x64xf32, #tpu.memory_space<vmem>>, %arg3: memref<128x1024xf32, #tpu.memory_space<vmem>>, %arg4: memref<128x1024xf32, #tpu.memory_space<vmem>>, %arg5: memref<128x1024xf32, #tpu.memory_space<vmem>>, %arg6: memref<1x1xf32, #tpu.memory_space<smem>>, %arg7: memref<1x1xf32, #tpu.memory_space<smem>>, %arg8: memref<1x1xf32, #tpu.memory_space<smem>>) attributes {dimension_semantics = [#tpu.dimension_semantics<arbitrary>], iteration_bounds = array<i64: 8>, scalar_prefetch = 0 : i64, scratch_operands = 0 : i64, tpu.core_type = #tpu.core_type<tc>, window_params = [{transform_indices = @transform_0, window_bounds = array<i64: 128, 64>}, {pipeline_mode = #tpu.pipeline_mode<synchronous>, transform_indices = @transform_1, window_bounds = array<i64: 1024, 64>}, {transform_indices = @transform_2, window_bounds = array<i64: 128, 1024>}, {transform_indices = @transform_3, window_bounds = array<i64: 128, 1024>}, {transform_indices = @transform_4, window_bounds = array<i64: 128, 1024>}, {transform_indices = @transform_5, window_bounds = array<i64: 1, 1>}, {transform_indices = @transform_6, window_bounds = array<i64: 1, 1>}, {transform_indices = @transform_7, window_bounds = array<i64: 1, 1>}]} {
    %get3A = arith.constant 0 : index
    %get3A_0 = arith.constant 0 : index
    %get3A_1 = vector.load %arg1[%get3A, %get3A_0] : memref<128x64xf32, #tpu.memory_space<vmem>>, vector<128x64xf32>
    %get3A_2 = arith.constant 0 : index
    %get3A_3 = arith.constant 0 : index
    %get3A_4 = vector.load %arg2[%get3A_2, %get3A_3] : memref<1024x64xf32, #tpu.memory_space<vmem>>, vector<1024x64xf32>
    %get3A_5 = arith.constant 0 : index
    %get3A_6 = arith.constant 0 : index
    %get3A_7 = vector.load %arg3[%get3A_5, %get3A_6] : memref<128x1024xf32, #tpu.memory_space<vmem>>, vector<128x1024xf32>
    %dot_general3A = arith.constant dense<0.000000e+00> : vector<128x1024xf32>
    %dot_general3A_8 = tpu.matmul %get3A_1, %get3A_4, %dot_general3A {dimension_numbers = #tpu.dot_dimension_numbers<[1], [1], [0], [0], [0, 0, 1, 0], [], []>, transpose_lhs_hint = false} : vector<128x64xf32>, vector<1024x64xf32>, vector<128x1024xf32> -> vector<128x1024xf32>
    %reduce_sum3A = arith.constant dense<0.000000e+00> : vector<128xf32>
    %reduce_sum3A_9 = vector.multi_reduction <add>, %get3A_7, %reduce_sum3A [1] : vector<128x1024xf32> to vector<128xf32>
    %broadcast_in_dim3A = vector.shape_cast %reduce_sum3A_9 : vector<128xf32> to vector<128x1xf32>
    %mul3A = arith.mulf %dot_general3A_8, %get3A_7 : vector<128x1024xf32>
    %reduce_sum3A_10 = arith.constant dense<0.000000e+00> : vector<128xf32>
    %reduce_sum3A_11 = vector.multi_reduction <add>, %mul3A, %reduce_sum3A_10 [1] : vector<128x1024xf32> to vector<128xf32>
    %broadcast_in_dim3A_12 = vector.shape_cast %reduce_sum3A_11 : vector<128xf32> to vector<128x1xf32>
    %max3A = arith.constant 1.000000e+00 : f32
    %max3A_13 = vector.broadcast %max3A : f32 to vector<128x1xf32>
    %max3A_14 = arith.maximumf %broadcast_in_dim3A, %max3A_13 : vector<128x1xf32>
    %div3A = arith.divf %broadcast_in_dim3A_12, %max3A_14 : vector<128x1xf32>
    %eq3A = arith.constant 0.000000e+00 : f32
    %eq3A_15 = vector.broadcast %eq3A : f32 to vector<128x1024xf32>
    %eq3A_16 = arith.cmpf oeq, %get3A_7, %eq3A_15 : vector<128x1024xf32>
    %sub3A = arith.constant 3.000000e-01 : f32
    %sub3A_17 = vector.broadcast %sub3A : f32 to vector<128x1xf32>
    %sub3A_18 = arith.subf %div3A, %sub3A_17 : vector<128x1xf32>
    %gt3A = vector.broadcast %sub3A_18 : vector<128x1xf32> to vector<128x1024xf32>
    %gt3A_19 = arith.cmpf ogt, %dot_general3A_8, %gt3A : vector<128x1024xf32>
    %and3A = arith.andi %gt3A_19, %eq3A_16 : vector<128x1024xi1>
    %jit3A = arith.constant 0xFF800000 : f32
    %broadcast_in_dim3A_20 = vector.broadcast %jit3A : f32 to vector<128x1024xf32>
    %select_n3A = arith.select %and3A, %dot_general3A_8, %broadcast_in_dim3A_20 : vector<128x1024xi1>, vector<128x1024xf32>
    %swap3A = arith.constant 0 : index
    %swap3A_21 = arith.constant 0 : index
    %swap3A_22 = vector.load %arg4[%swap3A, %swap3A_21] : memref<128x1024xf32, #tpu.memory_space<vmem>>, vector<128x1024xf32>
    tpu.vector_store %arg4[%swap3A, %swap3A_21], %select_n3A {strides = array<i32>} : memref<128x1024xf32, #tpu.memory_space<vmem>>, vector<128x1024xf32>,
    %jit3A_23 = arith.constant 0xFF800000 : f32
    %broadcast_in_dim3A_24 = vector.broadcast %jit3A_23 : f32 to vector<128x1024xf32>
    %select_n3A_25 = arith.select %eq3A_16, %dot_general3A_8, %broadcast_in_dim3A_24 : vector<128x1024xi1>, vector<128x1024xf32>
    %swap3A_26 = arith.constant 0 : index
    %swap3A_27 = arith.constant 0 : index
    %swap3A_28 = vector.load %arg5[%swap3A_26, %swap3A_27] : memref<128x1024xf32, #tpu.memory_space<vmem>>, vector<128x1024xf32>
    tpu.vector_store %arg5[%swap3A_26, %swap3A_27], %select_n3A_25 {strides = array<i32>} : memref<128x1024xf32, #tpu.memory_space<vmem>>, vector<128x1024xf32>,
    %reduce_max3A = arith.constant dense<0xFF800000> : vector<128xf32>
    %reduce_max3A_29 = vector.multi_reduction <maximumf>, %dot_general3A_8, %reduce_max3A [1] : vector<128x1024xf32> to vector<128xf32>
    %broadcast_in_dim3A_30 = vector.shape_cast %reduce_max3A_29 : vector<128xf32> to vector<128x1xf32>
    %max3A_31 = arith.maximumf %broadcast_in_dim3A_30, %div3A : vector<128x1xf32>
    %sub3A_32 = vector.broadcast %max3A_31 : vector<128x1xf32> to vector<128x1024xf32>
    %sub3A_33 = arith.subf %dot_general3A_8, %sub3A_32 : vector<128x1024xf32>
    %div3A_34 = arith.constant 7.000000e-02 : f32
    %div3A_35 = vector.broadcast %div3A_34 : f32 to vector<128x1024xf32>
    %div3A_36 = arith.divf %sub3A_33, %div3A_35 : vector<128x1024xf32>
    %exp3A = math.exp %div3A_36 : vector<128x1024xf32>
    %reduce_sum3A_37 = arith.constant dense<0.000000e+00> : vector<128xf32>
    %reduce_sum3A_38 = vector.multi_reduction <add>, %exp3A, %reduce_sum3A_37 [1] : vector<128x1024xf32> to vector<128xf32>
    %broadcast_in_dim3A_39 = vector.shape_cast %reduce_sum3A_38 : vector<128xf32> to vector<128x1xf32>
    %sub3A_40 = arith.subf %div3A, %max3A_31 : vector<128x1xf32>
    %div3A_41 = arith.constant 7.000000e-02 : f32
    %div3A_42 = vector.broadcast %div3A_41 : f32 to vector<128x1xf32>
    %div3A_43 = arith.divf %sub3A_40, %div3A_42 : vector<128x1xf32>
    %exp3A_44 = math.exp %div3A_43 : vector<128x1xf32>
    %add3A = arith.addf %broadcast_in_dim3A_39, %exp3A_44 : vector<128x1xf32>
    %div3A_45 = arith.constant 7.000000e-02 : f32
    %div3A_46 = vector.broadcast %div3A_45 : f32 to vector<128x1xf32>
    %div3A_47 = arith.divf %max3A_31, %div3A_46 : vector<128x1xf32>
    %log3A = math.log %add3A : vector<128x1xf32>
    %add3A_48 = arith.addf %div3A_47, %log3A : vector<128x1xf32>
    %div3A_49 = arith.constant 7.000000e-02 : f32
    %div3A_50 = vector.broadcast %div3A_49 : f32 to vector<128x1xf32>
    %div3A_51 = arith.divf %div3A, %div3A_50 : vector<128x1xf32>
    %sub3A_52 = arith.subf %add3A_48, %div3A_51 : vector<128x1xf32>
    %ge3A = arith.cmpf oge, %div3A, %broadcast_in_dim3A_30 : vector<128x1xf32>
    %convert_element_type3A = arith.extui %ge3A : vector<128x1xi1> to vector<128x1xi32>
    %convert_element_type3A_53 = arith.sitofp %convert_element_type3A : vector<128x1xi32> to vector<128x1xf32>
    %reduce_sum3A_54 = vector.shape_cast %sub3A_52 : vector<128x1xf32> to vector<1x128x1xf32>
    %reduce_sum3A_55 = arith.constant dense<0.000000e+00> : vector<1xf32>
    %reduce_sum3A_56 = vector.multi_reduction <add>, %reduce_sum3A_54, %reduce_sum3A_55 [1, 2] : vector<1x128x1xf32> to vector<1xf32>
    %reduce_sum3A_57 = vector.shape_cast %reduce_sum3A_56 : vector<1xf32> to vector<1x1x1xf32>
    %reduce_sum3A_58 = vector.extract %reduce_sum3A_57[0, 0, 0] : f32 from vector<1x1x1xf32>
    %reduce_sum3A_59 = vector.shape_cast %convert_element_type3A_53 : vector<128x1xf32> to vector<1x128x1xf32>
    %reduce_sum3A_60 = arith.constant dense<0.000000e+00> : vector<1xf32>
    %reduce_sum3A_61 = vector.multi_reduction <add>, %reduce_sum3A_59, %reduce_sum3A_60 [1, 2] : vector<1x128x1xf32> to vector<1xf32>
    %reduce_sum3A_62 = vector.shape_cast %reduce_sum3A_61 : vector<1xf32> to vector<1x1x1xf32>
    %reduce_sum3A_63 = vector.extract %reduce_sum3A_62[0, 0, 0] : f32 from vector<1x1x1xf32>
    %convert_element_type3A_64 = arith.extui %and3A : vector<128x1024xi1> to vector<128x1024xi32>
    %convert_element_type3A_65 = arith.sitofp %convert_element_type3A_64 : vector<128x1024xi32> to vector<128x1024xf32>
    %reduce_sum3A_66 = vector.shape_cast %convert_element_type3A_65 : vector<128x1024xf32> to vector<1x128x1024xf32>
    %reduce_sum3A_67 = arith.constant dense<0.000000e+00> : vector<1xf32>
    %reduce_sum3A_68 = vector.multi_reduction <add>, %reduce_sum3A_66, %reduce_sum3A_67 [1, 2] : vector<1x128x1024xf32> to vector<1xf32>
    %reduce_sum3A_69 = vector.shape_cast %reduce_sum3A_68 : vector<1xf32> to vector<1x1x1xf32>
    %reduce_sum3A_70 = vector.extract %reduce_sum3A_69[0, 0, 0] : f32 from vector<1x1x1xf32>
    %eq3A_71 = arith.constant 0 : i32
    %eq3A_72 = arith.cmpi eq, %arg0, %eq3A_71 : i32
    %convert_element_type3A_73 = arith.extui %eq3A_72 : i1 to i32
    %cond3A = arith.constant 0 : i32
    %cond3A_74 = arith.cmpi ne, %convert_element_type3A_73, %cond3A : i32
    scf.if %cond3A_74 {
      %swap3A_79 = arith.constant 0 : index
      %swap3A_80 = arith.constant 0 : index
      %swap3A_81 = memref.load %arg6[%swap3A_79, %swap3A_80] : memref<1x1xf32, #tpu.memory_space<smem>>
      memref.store %reduce_sum3A_58, %arg6[%swap3A_79, %swap3A_80] : memref<1x1xf32, #tpu.memory_space<smem>>
      %swap3A_82 = arith.constant 0 : index
      %swap3A_83 = arith.constant 0 : index
      %swap3A_84 = memref.load %arg7[%swap3A_82, %swap3A_83] : memref<1x1xf32, #tpu.memory_space<smem>>
      memref.store %reduce_sum3A_63, %arg7[%swap3A_82, %swap3A_83] : memref<1x1xf32, #tpu.memory_space<smem>>
      %swap3A_85 = arith.constant 0 : index
      %swap3A_86 = arith.constant 0 : index
      %swap3A_87 = memref.load %arg8[%swap3A_85, %swap3A_86] : memref<1x1xf32, #tpu.memory_space<smem>>
      memref.store %reduce_sum3A_70, %arg8[%swap3A_85, %swap3A_86] : memref<1x1xf32, #tpu.memory_space<smem>>
    } else {
    }
    %ne3A = arith.constant 0 : i32
    %ne3A_75 = arith.cmpi ne, %arg0, %ne3A : i32
    %convert_element_type3A_76 = arith.extui %ne3A_75 : i1 to i32
    %cond3A_77 = arith.constant 0 : i32
    %cond3A_78 = arith.cmpi ne, %convert_element_type3A_76, %cond3A_77 : i32
    scf.if %cond3A_78 {
      %get3A_79 = arith.constant 0 : index
      %get3A_80 = arith.constant 0 : index
      %get3A_81 = memref.load %arg6[%get3A_79, %get3A_80] : memref<1x1xf32, #tpu.memory_space<smem>>
      %add3A_82 = arith.addf %get3A_81, %reduce_sum3A_58 : f32
      %swap3A_83 = arith.constant 0 : index
      %swap3A_84 = arith.constant 0 : index
      %swap3A_85 = memref.load %arg6[%swap3A_83, %swap3A_84] : memref<1x1xf32, #tpu.memory_space<smem>>
      memref.store %add3A_82, %arg6[%swap3A_83, %swap3A_84] : memref<1x1xf32, #tpu.memory_space<smem>>
      %get3A_86 = arith.constant 0 : index
      %get3A_87 = arith.constant 0 : index
      %get3A_88 = memref.load %arg7[%get3A_86, %get3A_87] : memref<1x1xf32, #tpu.memory_space<smem>>
      %add3A_89 = arith.addf %get3A_88, %reduce_sum3A_63 : f32
      %swap3A_90 = arith.constant 0 : index
      %swap3A_91 = arith.constant 0 : index
      %swap3A_92 = memref.load %arg7[%swap3A_90, %swap3A_91] : memref<1x1xf32, #tpu.memory_space<smem>>
      memref.store %add3A_89, %arg7[%swap3A_90, %swap3A_91] : memref<1x1xf32, #tpu.memory_space<smem>>
      %get3A_93 = arith.constant 0 : index
      %get3A_94 = arith.constant 0 : index
      %get3A_95 = memref.load %arg8[%get3A_93, %get3A_94] : memref<1x1xf32, #tpu.memory_space<smem>>
      %add3A_96 = arith.addf %get3A_95, %reduce_sum3A_70 : f32
      %swap3A_97 = arith.constant 0 : index
      %swap3A_98 = arith.constant 0 : index
      %swap3A_99 = memref.load %arg8[%swap3A_97, %swap3A_98] : memref<1x1xf32, #tpu.memory_space<smem>>
      memref.store %add3A_96, %arg8[%swap3A_97, %swap3A_98] : memref<1x1xf32, #tpu.memory_space<smem>>
    } else {
    }
    return
  }
  func.func @transform_0(%arg0: i32) -> (i32, i32) {
    %c0_i32 = arith.constant 0 : i32
    %c0_i32_0 = arith.constant 0 : i32
    return %arg0, %c0_i32 : i32, i32
  }
  func.func @transform_1(%arg0: i32) -> (i32, i32) {
    %c0_i32 = arith.constant 0 : i32
    %c0_i32_0 = arith.constant 0 : i32
    %c0_i32_1 = arith.constant 0 : i32
    return %c0_i32, %c0_i32_0 : i32, i32
  }
  func.func @transform_2(%arg0: i32) -> (i32, i32) {
    %c0_i32 = arith.constant 0 : i32
    %c0_i32_0 = arith.constant 0 : i32
    return %arg0, %c0_i32 : i32, i32
  }
  func.func @transform_3(%arg0: i32) -> (i32, i32) {
    %c0_i32 = arith.constant 0 : i32
    %c0_i32_0 = arith.constant 0 : i32
    return %arg0, %c0_i32 : i32, i32
  }
  func.func @transform_4(%arg0: i32) -> (i32, i32) {
    %c0_i32 = arith.constant 0 : i32
    %c0_i32_0 = arith.constant 0 : i32
    return %arg0, %c0_i32 : i32, i32
  }
  func.func @transform_5(%arg0: i32) -> (i32, i32) {
    %c0_i32 = arith.constant 0 : i32
    %c0_i32_0 = arith.constant 0 : i32
    %c0_i32_1 = arith.constant 0 : i32
    return %c0_i32, %c0_i32_0 : i32, i32
  }
  func.func @transform_6(%arg0: i32) -> (i32, i32) {
    %c0_i32 = arith.constant 0 : i32
    %c0_i32_0 = arith.constant 0 : i32
    %c0_i32_1 = arith.constant 0 : i32
    return %c0_i32, %c0_i32_0 : i32, i32
  }
  func.func @transform_7(%arg0: i32) -> (i32, i32) {
    %c0_i32 = arith.constant 0 : i32
    %c0_i32_0 = arith.constant 0 : i32
    %c0_i32_1 = arith.constant 0 : i32
    return %c0_i32, %c0_i32_0 : i32, i32
  }
}

module attributes {stable_mosaic.version = 14 : i64} {
  func.func @_rank_body(%arg0: i32, %arg1: memref<1x1xf32, #tpu.memory_space<smem>>, %arg2: memref<32x1024xf32, #tpu.memory_space<vmem>>, %arg3: memref<32x1024xf32, #tpu.memory_space<vmem>>, %arg4: memref<32x1024xi32, #tpu.memory_space<vmem>>) attributes {dimension_semantics = [#tpu.dimension_semantics<arbitrary>], iteration_bounds = array<i64: 32>, scalar_prefetch = 0 : i64, scratch_operands = 0 : i64, tpu.core_type = #tpu.core_type<tc>, window_params = [{transform_indices = @transform_0, window_bounds = array<i64: 1, 1>}, {transform_indices = @transform_1, window_bounds = array<i64: 32, 1024>}, {transform_indices = @transform_2, window_bounds = array<i64: 32, 1024>}, {transform_indices = @transform_3, window_bounds = array<i64: 32, 1024>}]} {
    %get3A = arith.constant 0 : index
    %get3A_0 = arith.constant 0 : index
    %get3A_1 = memref.load %arg1[%get3A, %get3A_0] : memref<1x1xf32, #tpu.memory_space<smem>>
    %gt3A = arith.constant 0.000000e+00 : f32
    %gt3A_2 = arith.cmpf ogt, %get3A_1, %gt3A : f32
    %get3A_3 = arith.constant 0 : index
    %get3A_4 = arith.constant 0 : index
    %get3A_5 = vector.load %arg2[%get3A_3, %get3A_4] : memref<32x1024xf32, #tpu.memory_space<vmem>>, vector<32x1024xf32>
    %get3A_6 = arith.constant 0 : index
    %get3A_7 = arith.constant 0 : index
    %get3A_8 = vector.load %arg3[%get3A_6, %get3A_7] : memref<32x1024xf32, #tpu.memory_space<vmem>>, vector<32x1024xf32>
    %select_n3A = arith.select %gt3A_2, %get3A_5, %get3A_8 : vector<32x1024xf32>
    %iota3A = tpu.iota {dimensions = array<i32: 0>} : vector<128x128xi32>
    %iota3A_9 = tpu.iota {dimensions = array<i32: 1>} : vector<128x128xi32>
    %lt3A = arith.cmpi slt, %iota3A, %iota3A_9 : vector<128x128xi32>
    %jit3A = arith.constant 1.000000e+00 : f32
    %jit3A_10 = arith.constant 0.000000e+00 : f32
    %broadcast_in_dim3A = vector.broadcast %jit3A : f32 to vector<128x128xf32>
    %broadcast_in_dim3A_11 = vector.broadcast %jit3A_10 : f32 to vector<128x128xf32>
    %select_n3A_12 = arith.select %lt3A, %broadcast_in_dim3A, %broadcast_in_dim3A_11 : vector<128x128xi1>, vector<128x128xf32>
    %broadcast_in_dim3A_13 = vector.shape_cast %select_n3A_12 : vector<128x128xf32> to vector<1x128x128xf32>
    %slice3A = vector.extract_strided_slice %select_n3A {offsets = [0, 0], sizes = [32, 128], strides = [1, 1]} : vector<32x1024xf32> to vector<32x128xf32>
    %broadcast_in_dim3A_14 = vector.shape_cast %slice3A : vector<32x128xf32> to vector<32x128x1xf32>
    %slice3A_15 = vector.extract_strided_slice %select_n3A {offsets = [0, 0], sizes = [32, 128], strides = [1, 1]} : vector<32x1024xf32> to vector<32x128xf32>
    %broadcast_in_dim3A_16 = vector.shape_cast %slice3A_15 : vector<32x128xf32> to vector<32x1x128xf32>
    %gt3A_17 = vector.broadcast %broadcast_in_dim3A_14 : vector<32x128x1xf32> to vector<32x128x128xf32>
    %gt3A_18 = vector.broadcast %broadcast_in_dim3A_16 : vector<32x1x128xf32> to vector<32x128x128xf32>
    %gt3A_19 = arith.cmpf ogt, %gt3A_17, %gt3A_18 : vector<32x128x128xf32>
    %jit3A_20 = arith.constant 1.000000e+00 : f32
    %jit3A_21 = arith.constant 0.000000e+00 : f32
    %broadcast_in_dim3A_22 = vector.broadcast %jit3A_20 : f32 to vector<32x128x128xf32>
    %broadcast_in_dim3A_23 = vector.broadcast %jit3A_21 : f32 to vector<32x128x128xf32>
    %select_n3A_24 = arith.select %gt3A_19, %broadcast_in_dim3A_22, %broadcast_in_dim3A_23 : vector<32x128x128xi1>, vector<32x128x128xf32>
    %eq3A = vector.broadcast %broadcast_in_dim3A_14 : vector<32x128x1xf32> to vector<32x128x128xf32>
    %eq3A_25 = vector.broadcast %broadcast_in_dim3A_16 : vector<32x1x128xf32> to vector<32x128x128xf32>
    %eq3A_26 = arith.cmpf oeq, %eq3A, %eq3A_25 : vector<32x128x128xf32>
    %jit3A_27 = arith.constant 1.000000e+00 : f32
    %jit3A_28 = arith.constant 0.000000e+00 : f32
    %broadcast_in_dim3A_29 = vector.broadcast %jit3A_27 : f32 to vector<32x128x128xf32>
    %broadcast_in_dim3A_30 = vector.broadcast %jit3A_28 : f32 to vector<32x128x128xf32>
    %select_n3A_31 = arith.select %eq3A_26, %broadcast_in_dim3A_29, %broadcast_in_dim3A_30 : vector<32x128x128xi1>, vector<32x128x128xf32>
    %mul3A = vector.broadcast %broadcast_in_dim3A_13 : vector<1x128x128xf32> to vector<32x128x128xf32>
    %mul3A_32 = arith.mulf %mul3A, %select_n3A_31 : vector<32x128x128xf32>
    %add3A = arith.addf %select_n3A_24, %mul3A_32 : vector<32x128x128xf32>
    %reduce_sum3A = arith.constant dense<0.000000e+00> : vector<32x128xf32>
    %reduce_sum3A_33 = vector.multi_reduction <add>, %add3A, %reduce_sum3A [1] : vector<32x128x128xf32> to vector<32x128xf32>
    %slice3A_34 = vector.extract_strided_slice %select_n3A {offsets = [0, 128], sizes = [32, 896], strides = [1, 1]} : vector<32x1024xf32> to vector<32x896xf32>
    %broadcast_in_dim3A_35 = vector.shape_cast %slice3A_34 : vector<32x896xf32> to vector<32x1x896xf32>
    %ge3A = vector.broadcast %broadcast_in_dim3A_14 : vector<32x128x1xf32> to vector<32x128x896xf32>
    %ge3A_36 = vector.broadcast %broadcast_in_dim3A_35 : vector<32x1x896xf32> to vector<32x128x896xf32>
    %ge3A_37 = arith.cmpf oge, %ge3A, %ge3A_36 : vector<32x128x896xf32>
    %jit3A_38 = arith.constant 1.000000e+00 : f32
    %jit3A_39 = arith.constant 0.000000e+00 : f32
    %broadcast_in_dim3A_40 = vector.broadcast %jit3A_38 : f32 to vector<32x128x896xf32>
    %broadcast_in_dim3A_41 = vector.broadcast %jit3A_39 : f32 to vector<32x128x896xf32>
    %select_n3A_42 = arith.select %ge3A_37, %broadcast_in_dim3A_40, %broadcast_in_dim3A_41 : vector<32x128x896xi1>, vector<32x128x896xf32>
    %reduce_sum3A_43 = arith.constant dense<0.000000e+00> : vector<32x896xf32>
    %reduce_sum3A_44 = vector.multi_reduction <add>, %select_n3A_42, %reduce_sum3A_43 [1] : vector<32x128x896xf32> to vector<32x896xf32>
    %concatenate3A = tpu.concatenate %reduce_sum3A_33, %reduce_sum3A_44 in 1 : vector<32x128xf32>, vector<32x896xf32> -> vector<32x1024xf32>
    %slice3A_45 = vector.extract_strided_slice %select_n3A {offsets = [0, 128], sizes = [32, 128], strides = [1, 1]} : vector<32x1024xf32> to vector<32x128xf32>
    %broadcast_in_dim3A_46 = vector.shape_cast %slice3A_45 : vector<32x128xf32> to vector<32x128x1xf32>
    %slice3A_47 = vector.extract_strided_slice %select_n3A {offsets = [0, 0], sizes = [32, 128], strides = [1, 1]} : vector<32x1024xf32> to vector<32x128xf32>
    %broadcast_in_dim3A_48 = vector.shape_cast %slice3A_47 : vector<32x128xf32> to vector<32x1x128xf32>
    %gt3A_49 = vector.broadcast %broadcast_in_dim3A_46 : vector<32x128x1xf32> to vector<32x128x128xf32>
    %gt3A_50 = vector.broadcast %broadcast_in_dim3A_48 : vector<32x1x128xf32> to vector<32x128x128xf32>
    %gt3A_51 = arith.cmpf ogt, %gt3A_49, %gt3A_50 : vector<32x128x128xf32>
    %jit3A_52 = arith.constant 1.000000e+00 : f32
    %jit3A_53 = arith.constant 0.000000e+00 : f32
    %broadcast_in_dim3A_54 = vector.broadcast %jit3A_52 : f32 to vector<32x128x128xf32>
    %broadcast_in_dim3A_55 = vector.broadcast %jit3A_53 : f32 to vector<32x128x128xf32>
    %select_n3A_56 = arith.select %gt3A_51, %broadcast_in_dim3A_54, %broadcast_in_dim3A_55 : vector<32x128x128xi1>, vector<32x128x128xf32>
    %reduce_sum3A_57 = arith.constant dense<0.000000e+00> : vector<32x128xf32>
    %reduce_sum3A_58 = vector.multi_reduction <add>, %select_n3A_56, %reduce_sum3A_57 [1] : vector<32x128x128xf32> to vector<32x128xf32>
    %slice3A_59 = vector.extract_strided_slice %select_n3A {offsets = [0, 128], sizes = [32, 128], strides = [1, 1]} : vector<32x1024xf32> to vector<32x128xf32>
    %broadcast_in_dim3A_60 = vector.shape_cast %slice3A_59 : vector<32x128xf32> to vector<32x1x128xf32>
    %gt3A_61 = vector.broadcast %broadcast_in_dim3A_46 : vector<32x128x1xf32> to vector<32x128x128xf32>
    %gt3A_62 = vector.broadcast %broadcast_in_dim3A_60 : vector<32x1x128xf32> to vector<32x128x128xf32>
    %gt3A_63 = arith.cmpf ogt, %gt3A_61, %gt3A_62 : vector<32x128x128xf32>
    %jit3A_64 = arith.constant 1.000000e+00 : f32
    %jit3A_65 = arith.constant 0.000000e+00 : f32
    %broadcast_in_dim3A_66 = vector.broadcast %jit3A_64 : f32 to vector<32x128x128xf32>
    %broadcast_in_dim3A_67 = vector.broadcast %jit3A_65 : f32 to vector<32x128x128xf32>
    %select_n3A_68 = arith.select %gt3A_63, %broadcast_in_dim3A_66, %broadcast_in_dim3A_67 : vector<32x128x128xi1>, vector<32x128x128xf32>
    %eq3A_69 = vector.broadcast %broadcast_in_dim3A_46 : vector<32x128x1xf32> to vector<32x128x128xf32>
    %eq3A_70 = vector.broadcast %broadcast_in_dim3A_60 : vector<32x1x128xf32> to vector<32x128x128xf32>
    %eq3A_71 = arith.cmpf oeq, %eq3A_69, %eq3A_70 : vector<32x128x128xf32>
    %jit3A_72 = arith.constant 1.000000e+00 : f32
    %jit3A_73 = arith.constant 0.000000e+00 : f32
    %broadcast_in_dim3A_74 = vector.broadcast %jit3A_72 : f32 to vector<32x128x128xf32>
    %broadcast_in_dim3A_75 = vector.broadcast %jit3A_73 : f32 to vector<32x128x128xf32>
    %select_n3A_76 = arith.select %eq3A_71, %broadcast_in_dim3A_74, %broadcast_in_dim3A_75 : vector<32x128x128xi1>, vector<32x128x128xf32>
    %mul3A_77 = vector.broadcast %broadcast_in_dim3A_13 : vector<1x128x128xf32> to vector<32x128x128xf32>
    %mul3A_78 = arith.mulf %mul3A_77, %select_n3A_76 : vector<32x128x128xf32>
    %add3A_79 = arith.addf %select_n3A_68, %mul3A_78 : vector<32x128x128xf32>
    %reduce_sum3A_80 = arith.constant dense<0.000000e+00> : vector<32x128xf32>
    %reduce_sum3A_81 = vector.multi_reduction <add>, %add3A_79, %reduce_sum3A_80 [1] : vector<32x128x128xf32> to vector<32x128xf32>
    %slice3A_82 = vector.extract_strided_slice %select_n3A {offsets = [0, 256], sizes = [32, 768], strides = [1, 1]} : vector<32x1024xf32> to vector<32x768xf32>
    %broadcast_in_dim3A_83 = vector.shape_cast %slice3A_82 : vector<32x768xf32> to vector<32x1x768xf32>
    %ge3A_84 = vector.broadcast %broadcast_in_dim3A_46 : vector<32x128x1xf32> to vector<32x128x768xf32>
    %ge3A_85 = vector.broadcast %broadcast_in_dim3A_83 : vector<32x1x768xf32> to vector<32x128x768xf32>
    %ge3A_86 = arith.cmpf oge, %ge3A_84, %ge3A_85 : vector<32x128x768xf32>
    %jit3A_87 = arith.constant 1.000000e+00 : f32
    %jit3A_88 = arith.constant 0.000000e+00 : f32
    %broadcast_in_dim3A_89 = vector.broadcast %jit3A_87 : f32 to vector<32x128x768xf32>
    %broadcast_in_dim3A_90 = vector.broadcast %jit3A_88 : f32 to vector<32x128x768xf32>
    %select_n3A_91 = arith.select %ge3A_86, %broadcast_in_dim3A_89, %broadcast_in_dim3A_90 : vector<32x128x768xi1>, vector<32x128x768xf32>
    %reduce_sum3A_92 = arith.constant dense<0.000000e+00> : vector<32x768xf32>
    %reduce_sum3A_93 = vector.multi_reduction <add>, %select_n3A_91, %reduce_sum3A_92 [1] : vector<32x128x768xf32> to vector<32x768xf32>
    %concatenate3A_94 = tpu.concatenate %reduce_sum3A_58, %reduce_sum3A_81, %reduce_sum3A_93 in 1 : vector<32x128xf32>, vector<32x128xf32>, vector<32x768xf32> -> vector<32x1024xf32>
    %add3A_95 = arith.addf %concatenate3A, %concatenate3A_94 : vector<32x1024xf32>
    %slice3A_96 = vector.extract_strided_slice %select_n3A {offsets = [0, 256], sizes = [32, 128], strides = [1, 1]} : vector<32x1024xf32> to vector<32x128xf32>
    %broadcast_in_dim3A_97 = vector.shape_cast %slice3A_96 : vector<32x128xf32> to vector<32x128x1xf32>
    %slice3A_98 = vector.extract_strided_slice %select_n3A {offsets = [0, 0], sizes = [32, 256], strides = [1, 1]} : vector<32x1024xf32> to vector<32x256xf32>
    %broadcast_in_dim3A_99 = vector.shape_cast %slice3A_98 : vector<32x256xf32> to vector<32x1x256xf32>
    %gt3A_100 = vector.broadcast %broadcast_in_dim3A_97 : vector<32x128x1xf32> to vector<32x128x256xf32>
    %gt3A_101 = vector.broadcast %broadcast_in_dim3A_99 : vector<32x1x256xf32> to vector<32x128x256xf32>
    %gt3A_102 = arith.cmpf ogt, %gt3A_100, %gt3A_101 : vector<32x128x256xf32>
    %jit3A_103 = arith.constant 1.000000e+00 : f32
    %jit3A_104 = arith.constant 0.000000e+00 : f32
    %broadcast_in_dim3A_105 = vector.broadcast %jit3A_103 : f32 to vector<32x128x256xf32>
    %broadcast_in_dim3A_106 = vector.broadcast %jit3A_104 : f32 to vector<32x128x256xf32>
    %select_n3A_107 = arith.select %gt3A_102, %broadcast_in_dim3A_105, %broadcast_in_dim3A_106 : vector<32x128x256xi1>, vector<32x128x256xf32>
    %reduce_sum3A_108 = arith.constant dense<0.000000e+00> : vector<32x256xf32>
    %reduce_sum3A_109 = vector.multi_reduction <add>, %select_n3A_107, %reduce_sum3A_108 [1] : vector<32x128x256xf32> to vector<32x256xf32>
    %slice3A_110 = vector.extract_strided_slice %select_n3A {offsets = [0, 256], sizes = [32, 128], strides = [1, 1]} : vector<32x1024xf32> to vector<32x128xf32>
    %broadcast_in_dim3A_111 = vector.shape_cast %slice3A_110 : vector<32x128xf32> to vector<32x1x128xf32>
    %gt3A_112 = vector.broadcast %broadcast_in_dim3A_97 : vector<32x128x1xf32> to vector<32x128x128xf32>
    %gt3A_113 = vector.broadcast %broadcast_in_dim3A_111 : vector<32x1x128xf32> to vector<32x128x128xf32>
    %gt3A_114 = arith.cmpf ogt, %gt3A_112, %gt3A_113 : vector<32x128x128xf32>
    %jit3A_115 = arith.constant 1.000000e+00 : f32
    %jit3A_116 = arith.constant 0.000000e+00 : f32
    %broadcast_in_dim3A_117 = vector.broadcast %jit3A_115 : f32 to vector<32x128x128xf32>
    %broadcast_in_dim3A_118 = vector.broadcast %jit3A_116 : f32 to vector<32x128x128xf32>
    %select_n3A_119 = arith.select %gt3A_114, %broadcast_in_dim3A_117, %broadcast_in_dim3A_118 : vector<32x128x128xi1>, vector<32x128x128xf32>
    %eq3A_120 = vector.broadcast %broadcast_in_dim3A_97 : vector<32x128x1xf32> to vector<32x128x128xf32>
    %eq3A_121 = vector.broadcast %broadcast_in_dim3A_111 : vector<32x1x128xf32> to vector<32x128x128xf32>
    %eq3A_122 = arith.cmpf oeq, %eq3A_120, %eq3A_121 : vector<32x128x128xf32>
    %jit3A_123 = arith.constant 1.000000e+00 : f32
    %jit3A_124 = arith.constant 0.000000e+00 : f32
    %broadcast_in_dim3A_125 = vector.broadcast %jit3A_123 : f32 to vector<32x128x128xf32>
    %broadcast_in_dim3A_126 = vector.broadcast %jit3A_124 : f32 to vector<32x128x128xf32>
    %select_n3A_127 = arith.select %eq3A_122, %broadcast_in_dim3A_125, %broadcast_in_dim3A_126 : vector<32x128x128xi1>, vector<32x128x128xf32>
    %mul3A_128 = vector.broadcast %broadcast_in_dim3A_13 : vector<1x128x128xf32> to vector<32x128x128xf32>
    %mul3A_129 = arith.mulf %mul3A_128, %select_n3A_127 : vector<32x128x128xf32>
    %add3A_130 = arith.addf %select_n3A_119, %mul3A_129 : vector<32x128x128xf32>
    %reduce_sum3A_131 = arith.constant dense<0.000000e+00> : vector<32x128xf32>
    %reduce_sum3A_132 = vector.multi_reduction <add>, %add3A_130, %reduce_sum3A_131 [1] : vector<32x128x128xf32> to vector<32x128xf32>
    %slice3A_133 = vector.extract_strided_slice %select_n3A {offsets = [0, 384], sizes = [32, 640], strides = [1, 1]} : vector<32x1024xf32> to vector<32x640xf32>
    %broadcast_in_dim3A_134 = vector.shape_cast %slice3A_133 : vector<32x640xf32> to vector<32x1x640xf32>
    %ge3A_135 = vector.broadcast %broadcast_in_dim3A_97 : vector<32x128x1xf32> to vector<32x128x640xf32>
    %ge3A_136 = vector.broadcast %broadcast_in_dim3A_134 : vector<32x1x640xf32> to vector<32x128x640xf32>
    %ge3A_137 = arith.cmpf oge, %ge3A_135, %ge3A_136 : vector<32x128x640xf32>
    %jit3A_138 = arith.constant 1.000000e+00 : f32
    %jit3A_139 = arith.constant 0.000000e+00 : f32
    %broadcast_in_dim3A_140 = vector.broadcast %jit3A_138 : f32 to vector<32x128x640xf32>
    %broadcast_in_dim3A_141 = vector.broadcast %jit3A_139 : f32 to vector<32x128x640xf32>
    %select_n3A_142 = arith.select %ge3A_137, %broadcast_in_dim3A_140, %broadcast_in_dim3A_141 : vector<32x128x640xi1>, vector<32x128x640xf32>
    %reduce_sum3A_143 = arith.constant dense<0.000000e+00> : vector<32x640xf32>
    %reduce_sum3A_144 = vector.multi_reduction <add>, %select_n3A_142, %reduce_sum3A_143 [1] : vector<32x128x640xf32> to vector<32x640xf32>
    %concatenate3A_145 = tpu.concatenate %reduce_sum3A_109, %reduce_sum3A_132, %reduce_sum3A_144 in 1 : vector<32x256xf32>, vector<32x128xf32>, vector<32x640xf32> -> vector<32x1024xf32>
    %add3A_146 = arith.addf %add3A_95, %concatenate3A_145 : vector<32x1024xf32>
    %slice3A_147 = vector.extract_strided_slice %select_n3A {offsets = [0, 384], sizes = [32, 128], strides = [1, 1]} : vector<32x1024xf32> to vector<32x128xf32>
    %broadcast_in_dim3A_148 = vector.shape_cast %slice3A_147 : vector<32x128xf32> to vector<32x128x1xf32>
    %slice3A_149 = vector.extract_strided_slice %select_n3A {offsets = [0, 0], sizes = [32, 384], strides = [1, 1]} : vector<32x1024xf32> to vector<32x384xf32>
    %broadcast_in_dim3A_150 = vector.shape_cast %slice3A_149 : vector<32x384xf32> to vector<32x1x384xf32>
    %gt3A_151 = vector.broadcast %broadcast_in_dim3A_148 : vector<32x128x1xf32> to vector<32x128x384xf32>
    %gt3A_152 = vector.broadcast %broadcast_in_dim3A_150 : vector<32x1x384xf32> to vector<32x128x384xf32>
    %gt3A_153 = arith.cmpf ogt, %gt3A_151, %gt3A_152 : vector<32x128x384xf32>
    %jit3A_154 = arith.constant 1.000000e+00 : f32
    %jit3A_155 = arith.constant 0.000000e+00 : f32
    %broadcast_in_dim3A_156 = vector.broadcast %jit3A_154 : f32 to vector<32x128x384xf32>
    %broadcast_in_dim3A_157 = vector.broadcast %jit3A_155 : f32 to vector<32x128x384xf32>
    %select_n3A_158 = arith.select %gt3A_153, %broadcast_in_dim3A_156, %broadcast_in_dim3A_157 : vector<32x128x384xi1>, vector<32x128x384xf32>
    %reduce_sum3A_159 = arith.constant dense<0.000000e+00> : vector<32x384xf32>
    %reduce_sum3A_160 = vector.multi_reduction <add>, %select_n3A_158, %reduce_sum3A_159 [1] : vector<32x128x384xf32> to vector<32x384xf32>
    %slice3A_161 = vector.extract_strided_slice %select_n3A {offsets = [0, 384], sizes = [32, 128], strides = [1, 1]} : vector<32x1024xf32> to vector<32x128xf32>
    %broadcast_in_dim3A_162 = vector.shape_cast %slice3A_161 : vector<32x128xf32> to vector<32x1x128xf32>
    %gt3A_163 = vector.broadcast %broadcast_in_dim3A_148 : vector<32x128x1xf32> to vector<32x128x128xf32>
    %gt3A_164 = vector.broadcast %broadcast_in_dim3A_162 : vector<32x1x128xf32> to vector<32x128x128xf32>
    %gt3A_165 = arith.cmpf ogt, %gt3A_163, %gt3A_164 : vector<32x128x128xf32>
    %jit3A_166 = arith.constant 1.000000e+00 : f32
    %jit3A_167 = arith.constant 0.000000e+00 : f32
    %broadcast_in_dim3A_168 = vector.broadcast %jit3A_166 : f32 to vector<32x128x128xf32>
    %broadcast_in_dim3A_169 = vector.broadcast %jit3A_167 : f32 to vector<32x128x128xf32>
    %select_n3A_170 = arith.select %gt3A_165, %broadcast_in_dim3A_168, %broadcast_in_dim3A_169 : vector<32x128x128xi1>, vector<32x128x128xf32>
    %eq3A_171 = vector.broadcast %broadcast_in_dim3A_148 : vector<32x128x1xf32> to vector<32x128x128xf32>
    %eq3A_172 = vector.broadcast %broadcast_in_dim3A_162 : vector<32x1x128xf32> to vector<32x128x128xf32>
    %eq3A_173 = arith.cmpf oeq, %eq3A_171, %eq3A_172 : vector<32x128x128xf32>
    %jit3A_174 = arith.constant 1.000000e+00 : f32
    %jit3A_175 = arith.constant 0.000000e+00 : f32
    %broadcast_in_dim3A_176 = vector.broadcast %jit3A_174 : f32 to vector<32x128x128xf32>
    %broadcast_in_dim3A_177 = vector.broadcast %jit3A_175 : f32 to vector<32x128x128xf32>
    %select_n3A_178 = arith.select %eq3A_173, %broadcast_in_dim3A_176, %broadcast_in_dim3A_177 : vector<32x128x128xi1>, vector<32x128x128xf32>
    %mul3A_179 = vector.broadcast %broadcast_in_dim3A_13 : vector<1x128x128xf32> to vector<32x128x128xf32>
    %mul3A_180 = arith.mulf %mul3A_179, %select_n3A_178 : vector<32x128x128xf32>
    %add3A_181 = arith.addf %select_n3A_170, %mul3A_180 : vector<32x128x128xf32>
    %reduce_sum3A_182 = arith.constant dense<0.000000e+00> : vector<32x128xf32>
    %reduce_sum3A_183 = vector.multi_reduction <add>, %add3A_181, %reduce_sum3A_182 [1] : vector<32x128x128xf32> to vector<32x128xf32>
    %slice3A_184 = vector.extract_strided_slice %select_n3A {offsets = [0, 512], sizes = [32, 512], strides = [1, 1]} : vector<32x1024xf32> to vector<32x512xf32>
    %broadcast_in_dim3A_185 = vector.shape_cast %slice3A_184 : vector<32x512xf32> to vector<32x1x512xf32>
    %ge3A_186 = vector.broadcast %broadcast_in_dim3A_148 : vector<32x128x1xf32> to vector<32x128x512xf32>
    %ge3A_187 = vector.broadcast %broadcast_in_dim3A_185 : vector<32x1x512xf32> to vector<32x128x512xf32>
    %ge3A_188 = arith.cmpf oge, %ge3A_186, %ge3A_187 : vector<32x128x512xf32>
    %jit3A_189 = arith.constant 1.000000e+00 : f32
    %jit3A_190 = arith.constant 0.000000e+00 : f32
    %broadcast_in_dim3A_191 = vector.broadcast %jit3A_189 : f32 to vector<32x128x512xf32>
    %broadcast_in_dim3A_192 = vector.broadcast %jit3A_190 : f32 to vector<32x128x512xf32>
    %select_n3A_193 = arith.select %ge3A_188, %broadcast_in_dim3A_191, %broadcast_in_dim3A_192 : vector<32x128x512xi1>, vector<32x128x512xf32>
    %reduce_sum3A_194 = arith.constant dense<0.000000e+00> : vector<32x512xf32>
    %reduce_sum3A_195 = vector.multi_reduction <add>, %select_n3A_193, %reduce_sum3A_194 [1] : vector<32x128x512xf32> to vector<32x512xf32>
    %concatenate3A_196 = tpu.concatenate %reduce_sum3A_160, %reduce_sum3A_183, %reduce_sum3A_195 in 1 : vector<32x384xf32>, vector<32x128xf32>, vector<32x512xf32> -> vector<32x1024xf32>
    %add3A_197 = arith.addf %add3A_146, %concatenate3A_196 : vector<32x1024xf32>
    %slice3A_198 = vector.extract_strided_slice %select_n3A {offsets = [0, 512], sizes = [32, 128], strides = [1, 1]} : vector<32x1024xf32> to vector<32x128xf32>
    %broadcast_in_dim3A_199 = vector.shape_cast %slice3A_198 : vector<32x128xf32> to vector<32x128x1xf32>
    %slice3A_200 = vector.extract_strided_slice %select_n3A {offsets = [0, 0], sizes = [32, 512], strides = [1, 1]} : vector<32x1024xf32> to vector<32x512xf32>
    %broadcast_in_dim3A_201 = vector.shape_cast %slice3A_200 : vector<32x512xf32> to vector<32x1x512xf32>
    %gt3A_202 = vector.broadcast %broadcast_in_dim3A_199 : vector<32x128x1xf32> to vector<32x128x512xf32>
    %gt3A_203 = vector.broadcast %broadcast_in_dim3A_201 : vector<32x1x512xf32> to vector<32x128x512xf32>
    %gt3A_204 = arith.cmpf ogt, %gt3A_202, %gt3A_203 : vector<32x128x512xf32>
    %jit3A_205 = arith.constant 1.000000e+00 : f32
    %jit3A_206 = arith.constant 0.000000e+00 : f32
    %broadcast_in_dim3A_207 = vector.broadcast %jit3A_205 : f32 to vector<32x128x512xf32>
    %broadcast_in_dim3A_208 = vector.broadcast %jit3A_206 : f32 to vector<32x128x512xf32>
    %select_n3A_209 = arith.select %gt3A_204, %broadcast_in_dim3A_207, %broadcast_in_dim3A_208 : vector<32x128x512xi1>, vector<32x128x512xf32>
    %reduce_sum3A_210 = arith.constant dense<0.000000e+00> : vector<32x512xf32>
    %reduce_sum3A_211 = vector.multi_reduction <add>, %select_n3A_209, %reduce_sum3A_210 [1] : vector<32x128x512xf32> to vector<32x512xf32>
    %slice3A_212 = vector.extract_strided_slice %select_n3A {offsets = [0, 512], sizes = [32, 128], strides = [1, 1]} : vector<32x1024xf32> to vector<32x128xf32>
    %broadcast_in_dim3A_213 = vector.shape_cast %slice3A_212 : vector<32x128xf32> to vector<32x1x128xf32>
    %gt3A_214 = vector.broadcast %broadcast_in_dim3A_199 : vector<32x128x1xf32> to vector<32x128x128xf32>
    %gt3A_215 = vector.broadcast %broadcast_in_dim3A_213 : vector<32x1x128xf32> to vector<32x128x128xf32>
    %gt3A_216 = arith.cmpf ogt, %gt3A_214, %gt3A_215 : vector<32x128x128xf32>
    %jit3A_217 = arith.constant 1.000000e+00 : f32
    %jit3A_218 = arith.constant 0.000000e+00 : f32
    %broadcast_in_dim3A_219 = vector.broadcast %jit3A_217 : f32 to vector<32x128x128xf32>
    %broadcast_in_dim3A_220 = vector.broadcast %jit3A_218 : f32 to vector<32x128x128xf32>
    %select_n3A_221 = arith.select %gt3A_216, %broadcast_in_dim3A_219, %broadcast_in_dim3A_220 : vector<32x128x128xi1>, vector<32x128x128xf32>
    %eq3A_222 = vector.broadcast %broadcast_in_dim3A_199 : vector<32x128x1xf32> to vector<32x128x128xf32>
    %eq3A_223 = vector.broadcast %broadcast_in_dim3A_213 : vector<32x1x128xf32> to vector<32x128x128xf32>
    %eq3A_224 = arith.cmpf oeq, %eq3A_222, %eq3A_223 : vector<32x128x128xf32>
    %jit3A_225 = arith.constant 1.000000e+00 : f32
    %jit3A_226 = arith.constant 0.000000e+00 : f32
    %broadcast_in_dim3A_227 = vector.broadcast %jit3A_225 : f32 to vector<32x128x128xf32>
    %broadcast_in_dim3A_228 = vector.broadcast %jit3A_226 : f32 to vector<32x128x128xf32>
    %select_n3A_229 = arith.select %eq3A_224, %broadcast_in_dim3A_227, %broadcast_in_dim3A_228 : vector<32x128x128xi1>, vector<32x128x128xf32>
    %mul3A_230 = vector.broadcast %broadcast_in_dim3A_13 : vector<1x128x128xf32> to vector<32x128x128xf32>
    %mul3A_231 = arith.mulf %mul3A_230, %select_n3A_229 : vector<32x128x128xf32>
    %add3A_232 = arith.addf %select_n3A_221, %mul3A_231 : vector<32x128x128xf32>
    %reduce_sum3A_233 = arith.constant dense<0.000000e+00> : vector<32x128xf32>
    %reduce_sum3A_234 = vector.multi_reduction <add>, %add3A_232, %reduce_sum3A_233 [1] : vector<32x128x128xf32> to vector<32x128xf32>
    %slice3A_235 = vector.extract_strided_slice %select_n3A {offsets = [0, 640], sizes = [32, 384], strides = [1, 1]} : vector<32x1024xf32> to vector<32x384xf32>
    %broadcast_in_dim3A_236 = vector.shape_cast %slice3A_235 : vector<32x384xf32> to vector<32x1x384xf32>
    %ge3A_237 = vector.broadcast %broadcast_in_dim3A_199 : vector<32x128x1xf32> to vector<32x128x384xf32>
    %ge3A_238 = vector.broadcast %broadcast_in_dim3A_236 : vector<32x1x384xf32> to vector<32x128x384xf32>
    %ge3A_239 = arith.cmpf oge, %ge3A_237, %ge3A_238 : vector<32x128x384xf32>
    %jit3A_240 = arith.constant 1.000000e+00 : f32
    %jit3A_241 = arith.constant 0.000000e+00 : f32
    %broadcast_in_dim3A_242 = vector.broadcast %jit3A_240 : f32 to vector<32x128x384xf32>
    %broadcast_in_dim3A_243 = vector.broadcast %jit3A_241 : f32 to vector<32x128x384xf32>
    %select_n3A_244 = arith.select %ge3A_239, %broadcast_in_dim3A_242, %broadcast_in_dim3A_243 : vector<32x128x384xi1>, vector<32x128x384xf32>
    %reduce_sum3A_245 = arith.constant dense<0.000000e+00> : vector<32x384xf32>
    %reduce_sum3A_246 = vector.multi_reduction <add>, %select_n3A_244, %reduce_sum3A_245 [1] : vector<32x128x384xf32> to vector<32x384xf32>
    %concatenate3A_247 = tpu.concatenate %reduce_sum3A_211, %reduce_sum3A_234, %reduce_sum3A_246 in 1 : vector<32x512xf32>, vector<32x128xf32>, vector<32x384xf32> -> vector<32x1024xf32>
    %add3A_248 = arith.addf %add3A_197, %concatenate3A_247 : vector<32x1024xf32>
    %slice3A_249 = vector.extract_strided_slice %select_n3A {offsets = [0, 640], sizes = [32, 128], strides = [1, 1]} : vector<32x1024xf32> to vector<32x128xf32>
    %broadcast_in_dim3A_250 = vector.shape_cast %slice3A_249 : vector<32x128xf32> to vector<32x128x1xf32>
    %slice3A_251 = vector.extract_strided_slice %select_n3A {offsets = [0, 0], sizes = [32, 640], strides = [1, 1]} : vector<32x1024xf32> to vector<32x640xf32>
    %broadcast_in_dim3A_252 = vector.shape_cast %slice3A_251 : vector<32x640xf32> to vector<32x1x640xf32>
    %gt3A_253 = vector.broadcast %broadcast_in_dim3A_250 : vector<32x128x1xf32> to vector<32x128x640xf32>
    %gt3A_254 = vector.broadcast %broadcast_in_dim3A_252 : vector<32x1x640xf32> to vector<32x128x640xf32>
    %gt3A_255 = arith.cmpf ogt, %gt3A_253, %gt3A_254 : vector<32x128x640xf32>
    %jit3A_256 = arith.constant 1.000000e+00 : f32
    %jit3A_257 = arith.constant 0.000000e+00 : f32
    %broadcast_in_dim3A_258 = vector.broadcast %jit3A_256 : f32 to vector<32x128x640xf32>
    %broadcast_in_dim3A_259 = vector.broadcast %jit3A_257 : f32 to vector<32x128x640xf32>
    %select_n3A_260 = arith.select %gt3A_255, %broadcast_in_dim3A_258, %broadcast_in_dim3A_259 : vector<32x128x640xi1>, vector<32x128x640xf32>
    %reduce_sum3A_261 = arith.constant dense<0.000000e+00> : vector<32x640xf32>
    %reduce_sum3A_262 = vector.multi_reduction <add>, %select_n3A_260, %reduce_sum3A_261 [1] : vector<32x128x640xf32> to vector<32x640xf32>
    %slice3A_263 = vector.extract_strided_slice %select_n3A {offsets = [0, 640], sizes = [32, 128], strides = [1, 1]} : vector<32x1024xf32> to vector<32x128xf32>
    %broadcast_in_dim3A_264 = vector.shape_cast %slice3A_263 : vector<32x128xf32> to vector<32x1x128xf32>
    %gt3A_265 = vector.broadcast %broadcast_in_dim3A_250 : vector<32x128x1xf32> to vector<32x128x128xf32>
    %gt3A_266 = vector.broadcast %broadcast_in_dim3A_264 : vector<32x1x128xf32> to vector<32x128x128xf32>
    %gt3A_267 = arith.cmpf ogt, %gt3A_265, %gt3A_266 : vector<32x128x128xf32>
    %jit3A_268 = arith.constant 1.000000e+00 : f32
    %jit3A_269 = arith.constant 0.000000e+00 : f32
    %broadcast_in_dim3A_270 = vector.broadcast %jit3A_268 : f32 to vector<32x128x128xf32>
    %broadcast_in_dim3A_271 = vector.broadcast %jit3A_269 : f32 to vector<32x128x128xf32>
    %select_n3A_272 = arith.select %gt3A_267, %broadcast_in_dim3A_270, %broadcast_in_dim3A_271 : vector<32x128x128xi1>, vector<32x128x128xf32>
    %eq3A_273 = vector.broadcast %broadcast_in_dim3A_250 : vector<32x128x1xf32> to vector<32x128x128xf32>
    %eq3A_274 = vector.broadcast %broadcast_in_dim3A_264 : vector<32x1x128xf32> to vector<32x128x128xf32>
    %eq3A_275 = arith.cmpf oeq, %eq3A_273, %eq3A_274 : vector<32x128x128xf32>
    %jit3A_276 = arith.constant 1.000000e+00 : f32
    %jit3A_277 = arith.constant 0.000000e+00 : f32
    %broadcast_in_dim3A_278 = vector.broadcast %jit3A_276 : f32 to vector<32x128x128xf32>
    %broadcast_in_dim3A_279 = vector.broadcast %jit3A_277 : f32 to vector<32x128x128xf32>
    %select_n3A_280 = arith.select %eq3A_275, %broadcast_in_dim3A_278, %broadcast_in_dim3A_279 : vector<32x128x128xi1>, vector<32x128x128xf32>
    %mul3A_281 = vector.broadcast %broadcast_in_dim3A_13 : vector<1x128x128xf32> to vector<32x128x128xf32>
    %mul3A_282 = arith.mulf %mul3A_281, %select_n3A_280 : vector<32x128x128xf32>
    %add3A_283 = arith.addf %select_n3A_272, %mul3A_282 : vector<32x128x128xf32>
    %reduce_sum3A_284 = arith.constant dense<0.000000e+00> : vector<32x128xf32>
    %reduce_sum3A_285 = vector.multi_reduction <add>, %add3A_283, %reduce_sum3A_284 [1] : vector<32x128x128xf32> to vector<32x128xf32>
    %slice3A_286 = vector.extract_strided_slice %select_n3A {offsets = [0, 768], sizes = [32, 256], strides = [1, 1]} : vector<32x1024xf32> to vector<32x256xf32>
    %broadcast_in_dim3A_287 = vector.shape_cast %slice3A_286 : vector<32x256xf32> to vector<32x1x256xf32>
    %ge3A_288 = vector.broadcast %broadcast_in_dim3A_250 : vector<32x128x1xf32> to vector<32x128x256xf32>
    %ge3A_289 = vector.broadcast %broadcast_in_dim3A_287 : vector<32x1x256xf32> to vector<32x128x256xf32>
    %ge3A_290 = arith.cmpf oge, %ge3A_288, %ge3A_289 : vector<32x128x256xf32>
    %jit3A_291 = arith.constant 1.000000e+00 : f32
    %jit3A_292 = arith.constant 0.000000e+00 : f32
    %broadcast_in_dim3A_293 = vector.broadcast %jit3A_291 : f32 to vector<32x128x256xf32>
    %broadcast_in_dim3A_294 = vector.broadcast %jit3A_292 : f32 to vector<32x128x256xf32>
    %select_n3A_295 = arith.select %ge3A_290, %broadcast_in_dim3A_293, %broadcast_in_dim3A_294 : vector<32x128x256xi1>, vector<32x128x256xf32>
    %reduce_sum3A_296 = arith.constant dense<0.000000e+00> : vector<32x256xf32>
    %reduce_sum3A_297 = vector.multi_reduction <add>, %select_n3A_295, %reduce_sum3A_296 [1] : vector<32x128x256xf32> to vector<32x256xf32>
    %concatenate3A_298 = tpu.concatenate %reduce_sum3A_262, %reduce_sum3A_285, %reduce_sum3A_297 in 1 : vector<32x640xf32>, vector<32x128xf32>, vector<32x256xf32> -> vector<32x1024xf32>
    %add3A_299 = arith.addf %add3A_248, %concatenate3A_298 : vector<32x1024xf32>
    %slice3A_300 = vector.extract_strided_slice %select_n3A {offsets = [0, 768], sizes = [32, 128], strides = [1, 1]} : vector<32x1024xf32> to vector<32x128xf32>
    %broadcast_in_dim3A_301 = vector.shape_cast %slice3A_300 : vector<32x128xf32> to vector<32x128x1xf32>
    %slice3A_302 = vector.extract_strided_slice %select_n3A {offsets = [0, 0], sizes = [32, 768], strides = [1, 1]} : vector<32x1024xf32> to vector<32x768xf32>
    %broadcast_in_dim3A_303 = vector.shape_cast %slice3A_302 : vector<32x768xf32> to vector<32x1x768xf32>
    %gt3A_304 = vector.broadcast %broadcast_in_dim3A_301 : vector<32x128x1xf32> to vector<32x128x768xf32>
    %gt3A_305 = vector.broadcast %broadcast_in_dim3A_303 : vector<32x1x768xf32> to vector<32x128x768xf32>
    %gt3A_306 = arith.cmpf ogt, %gt3A_304, %gt3A_305 : vector<32x128x768xf32>
    %jit3A_307 = arith.constant 1.000000e+00 : f32
    %jit3A_308 = arith.constant 0.000000e+00 : f32
    %broadcast_in_dim3A_309 = vector.broadcast %jit3A_307 : f32 to vector<32x128x768xf32>
    %broadcast_in_dim3A_310 = vector.broadcast %jit3A_308 : f32 to vector<32x128x768xf32>
    %select_n3A_311 = arith.select %gt3A_306, %broadcast_in_dim3A_309, %broadcast_in_dim3A_310 : vector<32x128x768xi1>, vector<32x128x768xf32>
    %reduce_sum3A_312 = arith.constant dense<0.000000e+00> : vector<32x768xf32>
    %reduce_sum3A_313 = vector.multi_reduction <add>, %select_n3A_311, %reduce_sum3A_312 [1] : vector<32x128x768xf32> to vector<32x768xf32>
    %slice3A_314 = vector.extract_strided_slice %select_n3A {offsets = [0, 768], sizes = [32, 128], strides = [1, 1]} : vector<32x1024xf32> to vector<32x128xf32>
    %broadcast_in_dim3A_315 = vector.shape_cast %slice3A_314 : vector<32x128xf32> to vector<32x1x128xf32>
    %gt3A_316 = vector.broadcast %broadcast_in_dim3A_301 : vector<32x128x1xf32> to vector<32x128x128xf32>
    %gt3A_317 = vector.broadcast %broadcast_in_dim3A_315 : vector<32x1x128xf32> to vector<32x128x128xf32>
    %gt3A_318 = arith.cmpf ogt, %gt3A_316, %gt3A_317 : vector<32x128x128xf32>
    %jit3A_319 = arith.constant 1.000000e+00 : f32
    %jit3A_320 = arith.constant 0.000000e+00 : f32
    %broadcast_in_dim3A_321 = vector.broadcast %jit3A_319 : f32 to vector<32x128x128xf32>
    %broadcast_in_dim3A_322 = vector.broadcast %jit3A_320 : f32 to vector<32x128x128xf32>
    %select_n3A_323 = arith.select %gt3A_318, %broadcast_in_dim3A_321, %broadcast_in_dim3A_322 : vector<32x128x128xi1>, vector<32x128x128xf32>
    %eq3A_324 = vector.broadcast %broadcast_in_dim3A_301 : vector<32x128x1xf32> to vector<32x128x128xf32>
    %eq3A_325 = vector.broadcast %broadcast_in_dim3A_315 : vector<32x1x128xf32> to vector<32x128x128xf32>
    %eq3A_326 = arith.cmpf oeq, %eq3A_324, %eq3A_325 : vector<32x128x128xf32>
    %jit3A_327 = arith.constant 1.000000e+00 : f32
    %jit3A_328 = arith.constant 0.000000e+00 : f32
    %broadcast_in_dim3A_329 = vector.broadcast %jit3A_327 : f32 to vector<32x128x128xf32>
    %broadcast_in_dim3A_330 = vector.broadcast %jit3A_328 : f32 to vector<32x128x128xf32>
    %select_n3A_331 = arith.select %eq3A_326, %broadcast_in_dim3A_329, %broadcast_in_dim3A_330 : vector<32x128x128xi1>, vector<32x128x128xf32>
    %mul3A_332 = vector.broadcast %broadcast_in_dim3A_13 : vector<1x128x128xf32> to vector<32x128x128xf32>
    %mul3A_333 = arith.mulf %mul3A_332, %select_n3A_331 : vector<32x128x128xf32>
    %add3A_334 = arith.addf %select_n3A_323, %mul3A_333 : vector<32x128x128xf32>
    %reduce_sum3A_335 = arith.constant dense<0.000000e+00> : vector<32x128xf32>
    %reduce_sum3A_336 = vector.multi_reduction <add>, %add3A_334, %reduce_sum3A_335 [1] : vector<32x128x128xf32> to vector<32x128xf32>
    %slice3A_337 = vector.extract_strided_slice %select_n3A {offsets = [0, 896], sizes = [32, 128], strides = [1, 1]} : vector<32x1024xf32> to vector<32x128xf32>
    %broadcast_in_dim3A_338 = vector.shape_cast %slice3A_337 : vector<32x128xf32> to vector<32x1x128xf32>
    %ge3A_339 = vector.broadcast %broadcast_in_dim3A_301 : vector<32x128x1xf32> to vector<32x128x128xf32>
    %ge3A_340 = vector.broadcast %broadcast_in_dim3A_338 : vector<32x1x128xf32> to vector<32x128x128xf32>
    %ge3A_341 = arith.cmpf oge, %ge3A_339, %ge3A_340 : vector<32x128x128xf32>
    %jit3A_342 = arith.constant 1.000000e+00 : f32
    %jit3A_343 = arith.constant 0.000000e+00 : f32
    %broadcast_in_dim3A_344 = vector.broadcast %jit3A_342 : f32 to vector<32x128x128xf32>
    %broadcast_in_dim3A_345 = vector.broadcast %jit3A_343 : f32 to vector<32x128x128xf32>
    %select_n3A_346 = arith.select %ge3A_341, %broadcast_in_dim3A_344, %broadcast_in_dim3A_345 : vector<32x128x128xi1>, vector<32x128x128xf32>
    %reduce_sum3A_347 = arith.constant dense<0.000000e+00> : vector<32x128xf32>
    %reduce_sum3A_348 = vector.multi_reduction <add>, %select_n3A_346, %reduce_sum3A_347 [1] : vector<32x128x128xf32> to vector<32x128xf32>
    %concatenate3A_349 = tpu.concatenate %reduce_sum3A_313, %reduce_sum3A_336, %reduce_sum3A_348 in 1 : vector<32x768xf32>, vector<32x128xf32>, vector<32x128xf32> -> vector<32x1024xf32>
    %add3A_350 = arith.addf %add3A_299, %concatenate3A_349 : vector<32x1024xf32>
    %slice3A_351 = vector.extract_strided_slice %select_n3A {offsets = [0, 896], sizes = [32, 128], strides = [1, 1]} : vector<32x1024xf32> to vector<32x128xf32>
    %broadcast_in_dim3A_352 = vector.shape_cast %slice3A_351 : vector<32x128xf32> to vector<32x128x1xf32>
    %slice3A_353 = vector.extract_strided_slice %select_n3A {offsets = [0, 0], sizes = [32, 896], strides = [1, 1]} : vector<32x1024xf32> to vector<32x896xf32>
    %broadcast_in_dim3A_354 = vector.shape_cast %slice3A_353 : vector<32x896xf32> to vector<32x1x896xf32>
    %gt3A_355 = vector.broadcast %broadcast_in_dim3A_352 : vector<32x128x1xf32> to vector<32x128x896xf32>
    %gt3A_356 = vector.broadcast %broadcast_in_dim3A_354 : vector<32x1x896xf32> to vector<32x128x896xf32>
    %gt3A_357 = arith.cmpf ogt, %gt3A_355, %gt3A_356 : vector<32x128x896xf32>
    %jit3A_358 = arith.constant 1.000000e+00 : f32
    %jit3A_359 = arith.constant 0.000000e+00 : f32
    %broadcast_in_dim3A_360 = vector.broadcast %jit3A_358 : f32 to vector<32x128x896xf32>
    %broadcast_in_dim3A_361 = vector.broadcast %jit3A_359 : f32 to vector<32x128x896xf32>
    %select_n3A_362 = arith.select %gt3A_357, %broadcast_in_dim3A_360, %broadcast_in_dim3A_361 : vector<32x128x896xi1>, vector<32x128x896xf32>
    %reduce_sum3A_363 = arith.constant dense<0.000000e+00> : vector<32x896xf32>
    %reduce_sum3A_364 = vector.multi_reduction <add>, %select_n3A_362, %reduce_sum3A_363 [1] : vector<32x128x896xf32> to vector<32x896xf32>
    %slice3A_365 = vector.extract_strided_slice %select_n3A {offsets = [0, 896], sizes = [32, 128], strides = [1, 1]} : vector<32x1024xf32> to vector<32x128xf32>
    %broadcast_in_dim3A_366 = vector.shape_cast %slice3A_365 : vector<32x128xf32> to vector<32x1x128xf32>
    %gt3A_367 = vector.broadcast %broadcast_in_dim3A_352 : vector<32x128x1xf32> to vector<32x128x128xf32>
    %gt3A_368 = vector.broadcast %broadcast_in_dim3A_366 : vector<32x1x128xf32> to vector<32x128x128xf32>
    %gt3A_369 = arith.cmpf ogt, %gt3A_367, %gt3A_368 : vector<32x128x128xf32>
    %jit3A_370 = arith.constant 1.000000e+00 : f32
    %jit3A_371 = arith.constant 0.000000e+00 : f32
    %broadcast_in_dim3A_372 = vector.broadcast %jit3A_370 : f32 to vector<32x128x128xf32>
    %broadcast_in_dim3A_373 = vector.broadcast %jit3A_371 : f32 to vector<32x128x128xf32>
    %select_n3A_374 = arith.select %gt3A_369, %broadcast_in_dim3A_372, %broadcast_in_dim3A_373 : vector<32x128x128xi1>, vector<32x128x128xf32>
    %eq3A_375 = vector.broadcast %broadcast_in_dim3A_352 : vector<32x128x1xf32> to vector<32x128x128xf32>
    %eq3A_376 = vector.broadcast %broadcast_in_dim3A_366 : vector<32x1x128xf32> to vector<32x128x128xf32>
    %eq3A_377 = arith.cmpf oeq, %eq3A_375, %eq3A_376 : vector<32x128x128xf32>
    %jit3A_378 = arith.constant 1.000000e+00 : f32
    %jit3A_379 = arith.constant 0.000000e+00 : f32
    %broadcast_in_dim3A_380 = vector.broadcast %jit3A_378 : f32 to vector<32x128x128xf32>
    %broadcast_in_dim3A_381 = vector.broadcast %jit3A_379 : f32 to vector<32x128x128xf32>
    %select_n3A_382 = arith.select %eq3A_377, %broadcast_in_dim3A_380, %broadcast_in_dim3A_381 : vector<32x128x128xi1>, vector<32x128x128xf32>
    %mul3A_383 = vector.broadcast %broadcast_in_dim3A_13 : vector<1x128x128xf32> to vector<32x128x128xf32>
    %mul3A_384 = arith.mulf %mul3A_383, %select_n3A_382 : vector<32x128x128xf32>
    %add3A_385 = arith.addf %select_n3A_374, %mul3A_384 : vector<32x128x128xf32>
    %reduce_sum3A_386 = arith.constant dense<0.000000e+00> : vector<32x128xf32>
    %reduce_sum3A_387 = vector.multi_reduction <add>, %add3A_385, %reduce_sum3A_386 [1] : vector<32x128x128xf32> to vector<32x128xf32>
    %concatenate3A_388 = tpu.concatenate %reduce_sum3A_364, %reduce_sum3A_387 in 1 : vector<32x896xf32>, vector<32x128xf32> -> vector<32x1024xf32>
    %add3A_389 = arith.addf %add3A_350, %concatenate3A_388 : vector<32x1024xf32>
    %convert_element_type3A = arith.fptosi %add3A_389 : vector<32x1024xf32> to vector<32x1024xi32>
    %swap3A = arith.constant 0 : index
    %swap3A_390 = arith.constant 0 : index
    %swap3A_391 = vector.load %arg4[%swap3A, %swap3A_390] : memref<32x1024xi32, #tpu.memory_space<vmem>>, vector<32x1024xi32>
    tpu.vector_store %arg4[%swap3A, %swap3A_390], %convert_element_type3A {strides = array<i32>} : memref<32x1024xi32, #tpu.memory_space<vmem>>, vector<32x1024xi32>,
    return
  }
  func.func @transform_0(%arg0: i32) -> (i32, i32) {
    %c0_i32 = arith.constant 0 : i32
    %c0_i32_0 = arith.constant 0 : i32
    %c0_i32_1 = arith.constant 0 : i32
    return %c0_i32, %c0_i32_0 : i32, i32
  }
  func.func @transform_1(%arg0: i32) -> (i32, i32) {
    %c0_i32 = arith.constant 0 : i32
    %c0_i32_0 = arith.constant 0 : i32
    return %arg0, %c0_i32 : i32, i32
  }
  func.func @transform_2(%arg0: i32) -> (i32, i32) {
    %c0_i32 = arith.constant 0 : i32
    %c0_i32_0 = arith.constant 0 : i32
    return %arg0, %c0_i32 : i32, i32
  }
  func.func @transform_3(%arg0: i32) -> (i32, i32) {
    %c0_i32 = arith.constant 0 : i32
    %c0_i32_0 = arith.constant 0 : i32
    return %arg0, %c0_i32 : i32, i32
  }
}

</mosaic_0001>

<sc_bundles>
// kernel: kernel.5.cloned.1.call-start
scs
__scs_entry_jumppad:
0x0: {  	(pc) =	sbr.rel $0x88, $3  }
0x1: {  	(tag) =	ssettag $0x0;
	lr =	simm.s32 $0x1  }
0x2: {  	[smem:$0x3F9E] =	sst lr;
	_ =	strace $0xD0000000  }
0x3: {  	_ = 	snop  }
0x4: {  	_ = 	snop  }
0x5: {  	_ = 	snop  }
0x6: {  	_ = 	snop  }
0x7: {  	_ = 	snop  }
__scs_overlays_trampoline_lowered:
0x8: {  	[smem:$0x3FAD] =	sst s0  }
0x9: {  	[smem:$0x3FAE] =	sst s1  }
0xa: {  	[smem:$0x3FAF] =	sst s2  }
0xb: {  	[smem:$0x3FB0] =	sst s3  }
0xc: {  	[smem:$0x3FB1] =	sst s4  }
0xd: {  	[smem:$0x3FB2] =	sst s5  }
0xe: {  	[smem:$0x3FB3] =	sst s6  }
0xf: {  	[smem:$0x3FB4] =	sst s7  }
0x10: {  	[smem:$0x3FB5] =	sst s8  }
0x11: {  	[smem:$0x3FB6] =	sst s9;
	s0 =	simm.s32 @!p0 $0x0  }
0x12: {  	s1 =	sld [smem:$0x3F9C];
	s0 =	simm.s32 @p0 $0x1  }
0x13: {  	[smem:$0x3FB7] =	sst s0;
	s0 =	simm.s32 @!p1 $0x0  }
0x14: {  	s2 =	sld [smem:$0x3F9B];
	s0 =	simm.s32 @p1 $0x1  }
0x15: {  	[smem:$0x3FB8] =	sst s0;
	s0 =	simm.s32 @!p2 $0x0  }
0x16: {  	s3 =	sld [smem:$0x3FDB];
	s0 =	simm.s32 @p2 $0x1  }
0x17: {  	s4 =	simm.s32 $0x1BF5;
	[smem:$0x3FBA] =	sst s0  }
0x18: {  	s0 =	sld [smem:$0x3F9D];
	_ =	swait.ge [sflag:s4], $0x0  }
0x19: {  	s7 =	sld [smem:$0x3F9E]  }
0x1a: {  	s8 =	sadd.s32 $0xFFFFE003, lr  }
0x1b: {  	s9 =	sadd.s32 $0xFFFFFEF7, lr;
	s5 =	simm.s32 $0xFFFFFFFF;
	p2 =	slt.u32 s8, $0xFFFFF086  }
0x1c: {  	p1 =	slt.u32 s9, $0xF7A;
	s5 =	simm.s32 @!p2 $0x0  }
0x1d: {  	s5 =	simm.s32 @p1 $0x1;
	p0 =	seq.s32 s7, s2  }
0x1e: {  	s7 =	smul.u32 @!p0 $0xF7A, s2;
	p2 =	seq.s32 @!p0 s5, $0x0  }
0x1f: {  	s9 =	smul.u32 $0xF7A, s1;
	s8 =	simm.s32 @!p0 $0x1BF5;
	p2 =	por !p2, p0  }
0x20: {  	[sflag:s8] =	ssyncset.s32 @!p0 $0xFFFFF086;
	s6 =	sadd.s32 @!p0 s3, s7;
	s7 =	simm.s32 @!p0 $0x108  }
0x21: {  	s3 =	sadd.s32 s3, s9;
	s6 =	sadd.s32 @!p0 $0x88, s6;
	s7 =	simm.s32 @p2 $0x1082  }
0x22: {  	[simem:s7], [sflag:s8] =	dma.local @!p0 [hbm:s6], $0xF7A  }
0x23: {  	s9 =	sor.u32 $0xD0000000, s2;
	s6 =	simm.s32 $0x108;
	_ =	swait.ge @!p0 [sflag:s8], $0x0  }
0x24: {  	s3 =	sadd.s32 $0x88, s3;
	s6 =	simm.s32 @!p1 $0x1082;
	[sflag:s4] =	ssyncset.s32 $0xFFFFF086  }
0x25: {  	[simem:s6], [sflag:s4] =	dma.local [hbm:s3], $0xF7A  }
0x26: {  	[smem:$0x3F9E] =	sst s1;
	(tag) =	ssettag s2;
	_ =	strace s9  }
0x27: {  	s1 =	sld [smem:$0x3FAE]  }
0x28: {  	s2 =	sld [smem:$0x3FAF]  }
0x29: {  	s4 =	sld [smem:$0x3FB1]  }
0x2a: {  	p0 =	seq.s32 s5, $0x0;
	s5 =	sld [smem:$0x3FB2]  }
0x2b: {  	s6 =	sld [smem:$0x3FB3]  }
0x2c: {  	s7 =	sld [smem:$0x3FB4]  }
0x2d: {  	s3 =	simm.s32 $0x108;
	s8 =	sld [smem:$0x3FB5]  }
0x2e: {  	s3 =	simm.s32 @!p0 $0x1082;
	s9 =	sld [smem:$0x3FB6]  }
0x2f: {  	lr =	sadd.s32 s0, s3;
	s0 =	sld [smem:$0x3FAD]  }
0x30: {  	s3 =	sld [smem:$0x3FB0]  }
0x31: {  	[smem:$0x3FB9] =	sst s10  }
0x32: {  	s10 =	sld [smem:$0x3FB7];
	_ =	sdelay $0x3  }
0x33: {  	p0 =	seq.s32 s10, $0x1;
	s10 =	sld [smem:$0x3FB9];
	_ =	sdelay $0x3  }
0x34: {  	[smem:$0x3FB9] =	sst s10  }
0x35: {  	s10 =	sld [smem:$0x3FB8];
	_ =	sdelay $0x3  }
0x36: {  	p1 =	seq.s32 s10, $0x1;
	s10 =	sld [smem:$0x3FB9];
	_ =	sdelay $0x3  }
0x37: {  	[smem:$0x3FB9] =	sst s10  }
0x38: {  	s10 =	sld [smem:$0x3FBA]  }
0x39: {  	_ = 	snop;
	(pc) =	sbr.ind lr, $3  }
0x3a: {  	_ = 	snop  }
0x3b: {  	_ = 	snop  }
0x3c: {  	p2 =	seq.s32 s10, $0x1;
	s10 =	sld [smem:$0x3FB9]  }
0x3d: {  	_ =	shalt  }
0x3e: {  	_ =	shalt  }
0x3f: {  	_ =	shalt  }
0x40: {  	_ =	shalt  }
0x41: {  	_ =	shalt  }
0x42: {  	_ =	shalt  }
0x43: {  	_ =	shalt  }
0x44: {  	_ =	shalt  }
0x45: {  	_ =	shalt  }
0x46: {  	_ =	shalt  }
0x47: {  	_ =	shalt  }
0x48: {  	_ =	shalt  }
0x49: {  	_ =	shalt  }
0x4a: {  	_ =	shalt  }
0x4b: {  	_ =	shalt  }
0x4c: {  	_ =	shalt  }
0x4d: {  	_ =	shalt  }
0x4e: {  	_ =	shalt  }
0x4f: {  	_ =	shalt  }
0x50: {  	_ =	shalt  }
0x51: {  	_ =	shalt  }
0x52: {  	_ =	shalt  }
0x53: {  	_ =	shalt  }
0x54: {  	_ =	shalt  }
0x55: {  	_ =	shalt  }
0x56: {  	_ =	shalt  }
0x57: {  	_ =	shalt  }
0x58: {  	_ =	shalt  }
0x59: {  	_ =	shalt  }
0x5a: {  	_ =	shalt  }
0x5b: {  	_ =	shalt  }
0x5c: {  	_ =	shalt  }
0x5d: {  	_ =	shalt  }
0x5e: {  	_ =	shalt  }
0x5f: {  	_ =	shalt  }
0x60: {  	_ =	shalt  }
0x61: {  	_ =	shalt  }
0x62: {  	_ =	shalt  }
0x63: {  	_ =	shalt  }
0x64: {  	_ =	shalt  }
0x65: {  	_ =	shalt  }
0x66: {  	_ =	shalt  }
0x67: {  	_ =	shalt  }
0x68: {  	_ =	shalt  }
0x69: {  	_ =	shalt  }
0x6a: {  	_ =	shalt  }
0x6b: {  	_ =	shalt  }
0x6c: {  	_ =	shalt  }
0x6d: {  	_ =	shalt  }
0x6e: {  	_ =	shalt  }
0x6f: {  	_ =	shalt  }
0x70: {  	_ =	shalt  }
0x71: {  	_ =	shalt  }
0x72: {  	_ =	shalt  }
0x73: {  	_ =	shalt  }
0x74: {  	_ =	shalt  }
0x75: {  	_ =	shalt  }
0x76: {  	_ =	shalt  }
0x77: {  	_ =	shalt  }
0x78: {  	_ =	shalt  }
0x79: {  	_ =	shalt  }
0x7a: {  	_ =	shalt  }
0x7b: {  	_ =	shalt  }
0x7c: {  	_ =	shalt  }
0x7d: {  	_ =	shalt  }
0x7e: {  	_ =	shalt  }
0x7f: {  	_ =	shalt  }
0x80: {  	_ =	shalt  }
0x81: {  	_ =	shalt  }
0x82: {  	_ =	shalt  }
0x83: {  	_ =	shalt  }
0x84: {  	_ =	shalt  }
0x85: {  	_ =	shalt  }
0x86: {  	_ =	shalt  }
0x87: {  	_ =	shalt  }
.Lfunc_end0:
.L_simem_size_0:
called_computation_lowered:
.L_overlay_start_0:
0x88: {  	s2 =	sld [smem:$0x3FD9]  }
0x89: {  	s3 =	sld [smem:$0x3FFE];
	_ =	sdelay $0x1  }
0x8a: {  	s1 =	srdreg.scid  }
0x8b: {  	s0 =	sand.u32 $0x1, s1  }
0x8c: {  	s14 =	sshll.u32 s0, $0xA;
	s2 =	sadd.s32 s3, s2  }
0x8d: {  	s2 =	sadd.s32 s2, s14  }
0x8e: {  	[smem:$0x3FC5] =	sst s2  }
0x8f: {  	_ = 	snop  }
0x90: {  	s2 =	sld [smem:$0x3FD0];
	_ =	sdelay $0x2  }
0x91: {  	s15 =	simm.s32 $0xA;
	s4 =	simm.s32 $0x10  }
0x92: {  	[smem:s4], [sflag:s15] =	dma.local [hbm:s2], $0x1  }
0x93: {  	_ =	swait.eq [sflag:s15], $0x1  }
0x94: {  	[sflag:s15] =	ssyncset.done $0x0  }
0x95: {  	[sflag:s15] =	ssyncadd.s32 $0xFFFFFFFF  }
0x96: {  	s16 =	sld [smem:$0x12];
	(tm) =	ssettm $0x1  }
0x97: {  	s17 =	sld [smem:$0x3FFB];
	_ =	sdelay $0x3  }
0x98: {  	_ =	strace s17  }
0x99: {  	s3 =	sld [smem:$0x3FFC];
	_ =	sdelay $0x3  }
0x9a: {  	_ =	strace s3  }
0x9b: {  	s3 =	sld [smem:$0x3FFD];
	_ =	sdelay $0x3  }
0x9c: {  	_ =	strace s3  }
0x9d: {  	_ =	strace $0x8FFFFFFF  }
0x9e: {  	s18 =	sld [smem:$0x3FDB];
	_ =	sdelay $0x1  }
0x9f: {  	s19 =	simm.s32 $_scs_section_size  }
0xa0: {  	s5 =	simm.s32 $_size__tile_overlayer_lowered;
	s6 =	simm.s32 $_tile_overlayer_lowered  }
0xa1: {  	s22 =	simm.s32 $0x1BFF;
	s21 =	sshll.u32 s6, $0x1;
	s3 =	sadd.s32 s19, s18  }
0xa2: {  	s7 =	simm.s32 $0x0;
	s20 =	sshll.u32 s5, $0x1;
	s5 =	sadd.s32 s21, s3  }
0xa3: {  	[timem:s7], [sflag:s22] =	dma.local [hbm:s5], s20  }
0xa4: {  	_ =	swait.ge [sflag:s22], s20  }
0xa5: {  	s4 =	ssub.s32 $0x0, s20;
	[sflag:s22] =	ssyncset.done $0x0  }
0xa6: {  	[sflag:s22] =	ssyncadd.s32 s4;
	_ =	sdelay $0x1  }
0xa7: {  	s23 =	simm.s32 $0x1B8B  }
0xa8: {  	_ =	swait.ge [sflag:s23], $0x1  }
0xa9: {  	[sflag:s23] =	ssyncset.done $0x0  }
0xaa: {  	s25 =	simm.s32 $0x1B8E;
	s24 =	sld [smem:$0x3FFE];
	[sflag:s23] =	ssyncadd.s32 $0xFFFFFFFF  }
0xab: {  	s26 =	simm.s32 $execute0_lowered;
	[smem:$0x3FD2] =	sst s25  }
0xac: {  	s5 =	sshll.u32 s26, $0x1;
	_ =	strace $0x80000046;
	[dreg:$0x1] =	wrdreg $0xFFFFFFFF  }
0xad: {  	s28 =	simm.s32 $_size_execute0_lowered;
	s3 =	sadd.s32 s3, s5;
	[dreg:$0x0] =	wrdreg $0x0  }
0xae: {  	s5 =	sshll.u32 s28, $0x1;
	[dreg:$0x2] =	wrdreg s3  }
0xaf: {  	[dreg:$0x3] =	wrdreg s5  }
0xb0: {  	[dreg:$0x4] =	wrdreg $0xC0  }
0xb1: {  	_ =	task [dreg:s7], $0x5FFFF  }
0xb2: {  	[dreg:$0x1] =	wrdreg $0xFFFFFFFF  }
0xb3: {  	[dreg:$0x0] =	wrdreg $0x60  }
0xb4: {  	[dreg:$0x2] =	wrdreg s24  }
0xb5: {  	[dreg:$0x3] =	wrdreg s16  }
0xb6: {  	[dreg:$0x4] =	wrdreg $0x9  }
0xb7: {  	_ =	task.clear_ibuf [dreg:s7], $0x5FFFF;
	_ =	strace $0x90000046  }
0xb8: {  	s29 =	simm.s32 $0x9;
	_ =	strace $0x80000048  }
0xb9: {  	_ =	swait.ge [sflag:s29], $0x1  }
0xba: {  	[sflag:s29] =	ssyncadd.s32 $0xFFFFFFFF  }
0xbb: {  	_ =	strace $0x90000048  }
0xbc: {  	_ =	sfence  }
0xbd: {  	s30 =	sld [smem:$0x0];
	_ =	sdelay $0x2  }
0xbe: {  	s31 =	sshll.u32 s1, $0xD;
	s1 =	sshrl.u32 s1, $0x2  }
0xbf: {  	s3 =	sand.u32 $0x4000, s31;
	s1 =	sadd.s32 s1, s30  }
0xc0: {  	s0 =	sor.u32 s3, s0;
	s1 =	sshll.u32 s1, $0x11  }
0xc1: {  	s0 =	sor.u32 s1, s0  }
0xc2: {  	s0 =	sadd.s32 $0x8F2B, s0  }
0xc3: {  	[sflag:s0] =	ssyncadd.remote.s32 $0x1  }
0xc4: {  	_ =	sfence.sel $0xFFFF  }
0xc5: {  	[dreg:$0x0] =	wrdreg $0xFFFFFFFF;
	(pc) =	sbr.abs _section_cstart, $3  }
0xc6: {  	[dreg:$0x1] =	wrdreg $0xFFFFFFFF  }
0xc7: {  	_ =	task.clear_ibuf [dreg:s7], $0x2FFFF;
	_ =	strace $0x9FFFFFFF  }
0xc8: {  	(tm) =	ssettm $0x7FFFFFFF  }
0xc9: {  	_ =	shalt  }
tec
execute0_lowered:
.L_overlay_start_1:
0x0: {  	(tag) =	ssettag $0x1  }
0x1: {  	s1 =	rddreg [dreg:$0x0]  }
0x2: {  	s0 =	srdreg.scid;
	s2 =	rddreg [dreg:$0x1];
	s4 =	simm.s32 $0x0  }
0x3: {  	s3 =	stileid.u32;
	s8 =	simm.s32 $0x400;
	s5 =	sand.u32 $0x1, s0  }
0x4: {  	s9 =	simm.s32 $0x1;
	s0 =	rddreg [dreg:$0x2];
	s6 =	ssub.s32 $0x2, s5  }
0x5: {  	[smem:$0x7FF] =	sst s4;
	s31 =	sshll.u32 s3, $0x6;
	s7 =	sshrl.u32 s6, $0x1  }
0x6: {  	s5 =	sshll.u32 s5, $0x5;
	_ =	strace $0x80000047;
	s6 =	ssub.s32 s6, s7  }
0x7: {  	v0 =	vlaneseq.u32;
	s5 =	sor.u32 s5, s31;
	s7 =	simm.s32 $0x80;
	s6 =	smax.u32 s6, $0x1  }
.LBB2_1:
0x8: {  	s10 =	simm.s32 $0x0  }
.LBB2_2:
0x9: {  	s11 =	sadd.s32 s5, s10  }
0xa: {  	s12 =	sshll.u32 s10, $0x4;
	s11 =	sshll.u32 s11, $0x7  }
0xb: {  	s12 =	sand.u32 $0x70, s12;
	s11 =	sand.u32 $0x1FC00, s11  }
0xc: {  	s11 =	sor.u32 s12, s11  }
0xd: {  	s12 =	simm.s32 $0x0;
	s13 =	sadd.s32 s1, s11  }
0xe: {  	[tilespmem:s12], [sflag:$0x1] =	stream.strided.gather [hbm4b:s13+s7], $0x400, s8, s7, $0x38;
	[tilespmem:$0x800] =	vst v63  }
0xf: {  	_ =	swait.ge [sflag:s9], $0x400  }
0x10: {  	[sflag:s9] =	ssyncset.done $0x0  }
0x11: {  	[sflag:s9] =	ssyncadd.s32 $0xFFFFFC00  }
0x12: {  	s14 =	simm.s32 $0x0;
	s13 =	simm.s32 $0x10;
	v1 =	vld [tilespmem:s12+$0x0]  }
.LBB2_3:
0x13: {  	p0 =	sne.s32 s13, $0x3F0;
	_ =	sdelay $0x3  }
.Ltmp0:
0x14: {  	(pc) =	sbr.rel @p0 .LBB2_3-.Ltmp0, $4  }
0x15: {  	_ = 	snop  }
0x16: {  	v2 =	vor.u32 s12, v0;
	s12 =	smov.u32 s13  }
0x17: {  	s14 =	sadd.s32 $0x10, s14;
	[tilespmem:v1+s8+$0x0] =	vst.idx.msk $0xffff, v2  }
0x18: {  	s13 =	sadd.s32 $0x10, s13;
	v1 =	vld [tilespmem:s14+$0x0]  }
0x19: {  	_ =	sdelay $0x5  }
0x1a: {  	s10 =	sadd.s32 $0x1, s10  }
0x1b: {  	v2 =	vor.u32 s12, v0;
	p0 =	sne.s32 s10, $0x20  }
.Ltmp1:
0x1c: {  	s11 =	sadd.s32 s2, s11;
	[tilespmem:v1+s8+$0x0] =	vst.idx.msk $0xffff, v2;
	(pc) =	sbr.rel @p0 .LBB2_2-.Ltmp1, $4  }
0x1d: {  	[hbm4b:s11+s7] =	stream.strided.scatter [tilespmem:s8], [sflag:$0x1], $0x400, s8, s7, $0x38;
	[tilespmem:$0x800] =	vst v63  }
0x1e: {  	_ =	swait.ge [sflag:s9], $0x400  }
0x1f: {  	[sflag:s9] =	ssyncset.done $0x0  }
0x20: {  	[sflag:s9] =	ssyncadd.s32 $0xFFFFFC00  }
0x21: {  	s4 =	sadd.s32 $0x1, s4  }
0x22: {  	p0 =	sne.s32 s4, s6  }
.Ltmp2:
0x23: {  	_ = 	snop;
	(pc) =	sbr.rel @p0 .LBB2_1-.Ltmp2, $1  }
0x24: {  	_ =	sdelay $0x3  }
0x25: {  	_ =	sfence.sel $0x180000  }
0x26: {  	[bflag:$0x0] =	sbarrier.arrive $0xFFFF  }
0x27: {  	p0 =	sne.s32 s3, $0x0;
	_ =	strace $0x90000047  }
0x28: {  	s0 =	sadd.s32 @!p0 $0x100000, s0;
	[bflag:$0x2] =	sbarrier.arrive $0xFFFF  }
0x29: {  	[sflag:s0] =	ssyncadd.tile.s32 @!p0 $0x1;
	_ =	shalt  }
.Lfunc_end2:
_tile_overlayer_lowered:
.L_overlay_start_2:
0x2a: {  	(tag) =	ssettag $0x2  }
0x2b: {  	s0 =	rddreg [dreg:$0x0];
	s2 =	stileid.u32  }
0x2c: {  	s1 =	rddreg [dreg:$0x1];
	p0 =	sne.s32 s2, $0x0  }
0x2d: {  	s3 =	rddreg [dreg:$0x2];
	[bflag:$0x3] =	sbarrier.arrive $0xFFFF;
	s2 =	simm.s32 @!p0 $0x1C01  }
0x2e: {  	[timem:s3], [sflag:s2] =	dma.local @!p0 [hbm:s0], s1  }
0x2f: {  	s0 =	simm.s32 @!p0 $0x1  }
0x30: {  	_ =	swait.ge @!p0 [sflag:s0], s1  }
0x31: {  	s1 =	ssub.s32 @!p0 $0x0, s1;
	[sflag:s0] =	ssyncset.done @!p0 $0x0  }
0x32: {  	[sflag:s0] =	ssyncadd.s32 @!p0 s1  }
0x33: {  	[bflag:$0x3] =	sbarrier.arrive $0xFFFF  }
0x34: {  	_ =	shalt  }

</sc_bundles>
